<compile_context>
chip_gen: v7x
topology: tpu7x:2x2x1
jax: 0.10.2.dev20260603
libtpu: 0.0.44.dev20260713+nightly
codegen_flags: <defaults>
</compile_context>

<pallas_src>
import functools

import jax
import jax.numpy as jnp
from jax import lax
from jax.experimental import pallas as pl
from jax.experimental.pallas import tpu as pltpu
from jax.experimental.pallas import tpu_sc as plsc

N, E, D, H, O = 10000, 320000, 128, 64, 128
NC, NS = 2, 16
NW = NC * NS
CK = 128
NCHUNK = 80
EPAD = NW * NCHUNK * CK
NP = 10240
RPT = NP // NS
RB = 128
NRB = RPT // RB
RT = 1000


def _pre_body(x_ref, whh_ref, p_ref):
    p_ref[...] = jnp.dot(x_ref[...], whh_ref[...], preferred_element_type=jnp.float32)


def _post_body(x_ref, acc_ref, wih_ref, br_ref, wfc_ref, bfc_ref, out_ref):
    a = acc_ref[0, :, :H] + acc_ref[1, :, :H]
    h = jnp.tanh(
        jnp.dot(x_ref[...], wih_ref[...], preferred_element_type=jnp.float32)
        + br_ref[...]
        + a
    )
    out_ref[...] = (
        jnp.dot(h, wfc_ref[...], preferred_element_type=jnp.float32) + bfc_ref[...]
    )


def _sc_body(p_hbm, src_hbm, dst_hbm, out_hbm, src_v, dst_v, rows0_v, rows1_v,
             zbuf_v, acc_sh, sem0, sem1):
    c = lax.axis_index("c")
    s = lax.axis_index("s")
    wid = c * NS + s

    def _zrow(r, carry):
        for q in range(H // 16):
            zbuf_v[r, pl.ds(q * 16, 16)] = jnp.zeros((16,), jnp.float32)
        return carry

    lax.fori_loop(0, RB, _zrow, 0)
    row0 = s * RPT
    for b in range(NRB):
        pltpu.sync_copy(zbuf_v, acc_sh.at[pl.ds(row0 + b * RB, RB)])

    pltpu.sync_copy(src_hbm.at[wid], src_v)
    pltpu.sync_copy(dst_hbm.at[wid], dst_v)
    plsc.subcore_barrier()

    pltpu.async_copy(p_hbm.at[src_v.at[0]], rows0_v, sem0)

    def _pair(i, carry):
        j0 = 2 * i
        pltpu.async_copy(p_hbm.at[src_v.at[j0 + 1]], rows1_v, sem1)
        pltpu.make_async_copy(p_hbm.at[src_v.at[j0]], rows0_v, sem0).wait()
        pltpu.sync_copy(rows0_v, acc_sh.at[dst_v.at[j0]], add=True)

        @pl.when(j0 + 2 < NCHUNK)
        def _():
            pltpu.async_copy(p_hbm.at[src_v.at[j0 + 2]], rows0_v, sem0)

        pltpu.make_async_copy(p_hbm.at[src_v.at[j0 + 1]], rows1_v, sem1).wait()
        pltpu.sync_copy(rows1_v, acc_sh.at[dst_v.at[j0 + 1]], add=True)
        return carry

    lax.fori_loop(0, NCHUNK // 2, _pair, 0)

    plsc.subcore_barrier()
    for b in range(NRB):
        r = row0 + b * RB
        pltpu.sync_copy(acc_sh.at[pl.ds(r, RB)], zbuf_v)
        pltpu.sync_copy(zbuf_v, out_hbm.at[c, pl.ds(r, RB), pl.ds(0, H)])


_sc_accum = functools.partial(
    pl.kernel,
    out_type=jax.ShapeDtypeStruct((NC, NP, 2 * H), jnp.float32),
    mesh=plsc.VectorSubcoreMesh(core_axis_name="c", subcore_axis_name="s"),
    scratch_types=[
        pltpu.VMEM((NCHUNK, CK), jnp.int32),
        pltpu.VMEM((NCHUNK, CK), jnp.int32),
        pltpu.VMEM((CK, H), jnp.float32),
        pltpu.VMEM((CK, H), jnp.float32),
        pltpu.VMEM((RB, H), jnp.float32),
        pltpu.VMEM_SHARED((NP, H), jnp.float32),
        pltpu.SemaphoreType.DMA,
        pltpu.SemaphoreType.DMA,
    ],
    compiler_params=pltpu.CompilerParams(use_tc_tiling_on_sc=False),
)(_sc_body)


def kernel(x, edge_index, W_ih, W_hh, b_r, W_fc, b_fc):
    ei = edge_index.astype(jnp.int32)
    pad = jnp.tile(jnp.array([[0], [N]], jnp.int32), (1, EPAD - E))
    ei = jnp.concatenate([ei, pad], axis=1)
    src = ei[0].reshape(NW, NCHUNK, CK)
    dst = ei[1].reshape(NW, NCHUNK, CK)

    p = pl.pallas_call(
        _pre_body,
        grid=(N // RT,),
        in_specs=[
            pl.BlockSpec((RT, D), lambda i: (i, 0)),
            pl.BlockSpec((D, H), lambda i: (0, 0)),
        ],
        out_specs=pl.BlockSpec((RT, H), lambda i: (i, 0)),
        out_shape=jax.ShapeDtypeStruct((N, H), jnp.float32),
    )(x, W_hh)

    partials = _sc_accum(p, src, dst)

    out = pl.pallas_call(
        _post_body,
        grid=(N // RT,),
        in_specs=[
            pl.BlockSpec((RT, D), lambda i: (i, 0)),
            pl.BlockSpec((NC, RT, 2 * H), lambda i: (0, i, 0)),
            pl.BlockSpec((D, H), lambda i: (0, 0)),
            pl.BlockSpec((1, H), lambda i: (0, 0)),
            pl.BlockSpec((H, O), lambda i: (0, 0)),
            pl.BlockSpec((1, O), lambda i: (0, 0)),
        ],
        out_specs=pl.BlockSpec((RT, O), lambda i: (i, 0)),
        out_shape=jax.ShapeDtypeStruct((N, O), jnp.float32),
    )(x, partials, W_ih, b_r.reshape(1, H), W_fc, b_fc.reshape(1, O))
    return out

# --- scband reference (transcript-rebuilt; emitter-appended) ---
"""Pipeline reference for scband-graph-rnn-48567490183708 (READ-ONLY COPY).

The authoritative reference and input builder live on the scoring server;
editing this copy changes nothing except your own understanding.
"""

import jax, jax.numpy as jnp
import numpy as np

N, E, D, H, O = 10000, 320000, 128, 64, 128

def setup_inputs(seed: int = 0) -> dict:
    key = jax.random.key(seed)
    k1, k2, k3, k4, k5, k6, k7 = jax.random.split(key, 7)
    x = jax.random.normal(k1, (N, D), dtype=jnp.float32)
    edge_index = jax.random.randint(k2, (2, E), 0, N)
    # RNNConv parameters (RNN-style update over aggregated neighbor messages)
    W_ih = jax.random.normal(k3, (D, H), dtype=jnp.float32) * (1.0 / np.sqrt(D))
    W_hh = jax.random.normal(k4, (D, H), dtype=jnp.float32) * (1.0 / np.sqrt(D))
    b_r = jax.random.normal(k5, (H,), dtype=jnp.float32) * 0.01
    # fc parameters
    W_fc = jax.random.normal(k6, (H, O), dtype=jnp.float32) * (1.0 / np.sqrt(H))
    b_fc = jax.random.normal(k7, (O,), dtype=jnp.float32) * 0.01
    return {"x": x, "edge_index": edge_index, "W_ih": W_ih, "W_hh": W_hh, "b_r": b_r, "W_fc": W_fc, "b_fc": b_fc}

def reference(x, edge_index, W_ih, W_hh, b_r, W_fc, b_fc):
    src = edge_index[0]
    dst = edge_index[1]
    # message passing: gather source node features, scatter-add to destination
    msgs = jnp.take(x, src, axis=0)                      # [E, D] gather
    agg = jax.ops.segment_sum(msgs, dst, num_segments=x.shape[0])  # [N, D] scatter-add
    # RNN-style node update: input = own features, hidden = aggregated neighbors
    h = jnp.tanh(x @ W_ih + agg @ W_hh + b_r)            # [N, H]
    # final linear layer
    out = h @ W_fc + b_fc                                # [N, O]
    return out

if __name__ == "__main__":
    import jax
    _d = setup_inputs()
    print(jax.jit(kernel)(*tuple(_d.values())))

</pallas_src>

<mosaic_0001>
#map = affine_map<(d0, d1) -> (0, 0)>
#map1 = affine_map<(d0, d1) -> (0, 0, 0)>
module attributes {stable_mosaic.version = 14 : i64} {
  func.func @_sc_body(%arg0: i32, %arg1: i32, %arg2: memref<10000x64xf32, #tpu.memory_space<hbm>>, %arg3: memref<32x80x128xi32, #tpu.memory_space<hbm>>, %arg4: memref<32x80x128xi32, #tpu.memory_space<hbm>>, %arg5: memref<2x10240x128xf32, #tpu.memory_space<hbm>>, %arg6: memref<80x128xi32, #tpu.memory_space<vmem>>, %arg7: memref<80x128xi32, #tpu.memory_space<vmem>>, %arg8: memref<128x64xf32, #tpu.memory_space<vmem>>, %arg9: memref<128x64xf32, #tpu.memory_space<vmem>>, %arg10: memref<128x64xf32, #tpu.memory_space<vmem>>, %arg11: memref<10240x64xf32, #tpu.memory_space<vmem_shared>>, %arg12: memref<!tpu.dma_semaphore, #tpu.memory_space<semaphore_mem>>, %arg13: memref<!tpu.dma_semaphore, #tpu.memory_space<semaphore_mem>>) attributes {dimension_semantics = [#tpu.dimension_semantics<core_parallel>, #tpu.dimension_semantics<subcore_parallel>], iteration_bounds = array<i64: 2, 16>, scalar_prefetch = 0 : i64, scratch_operands = 8 : i64, tpu.core_type = #tpu.core_type<sc_vector_subcore>, window_params = [{transform_indices = #map}, {transform_indices = #map1}, {transform_indices = #map1}, {transform_indices = #map1}]} {
    %mul3A = arith.constant 16 : i32
    %mul3A_0 = arith.muli %arg0, %mul3A : i32
    %add3A = arith.addi %mul3A_0, %arg1 : i32
    %scan3A = arith.constant 0 : i32
    %scan3A_1 = arith.constant 0 : i32
    %scan3A_2 = arith.constant 128 : i32
    %scan3A_3 = arith.addi %scan3A_1, %scan3A_2 : i32
    %scan3A_4 = arith.constant 1 : i32
    scf.for %scan3A_41 = %scan3A_1 to %scan3A_3 step %scan3A_4  : i32 {
      %broadcast_in_dim3A = arith.constant 0.000000e+00 : f32
      %broadcast_in_dim3A_42 = vector.broadcast %broadcast_in_dim3A : f32 to vector<16xf32>
      %swap3A = arith.index_cast %scan3A_41 : i32 to index
      %swap3A_43 = arith.constant 0 : index
      %swap3A_44 = tpu.vector_load %arg10[%swap3A, %swap3A_43] {strides = array<i32>} : memref<128x64xf32, #tpu.memory_space<vmem>>, vector<1x16xf32>,
      %swap3A_45 = vector.shape_cast %swap3A_44 : vector<1x16xf32> to vector<16xf32>
      %swap3A_46 = vector.shape_cast %broadcast_in_dim3A_42 : vector<16xf32> to vector<1x16xf32>
      tpu.vector_store %arg10[%swap3A, %swap3A_43], %swap3A_46 {strides = array<i32>} : memref<128x64xf32, #tpu.memory_space<vmem>>, vector<1x16xf32>,
      %broadcast_in_dim3A_47 = arith.constant 0.000000e+00 : f32
      %broadcast_in_dim3A_48 = vector.broadcast %broadcast_in_dim3A_47 : f32 to vector<16xf32>
      %swap3A_49 = arith.index_cast %scan3A_41 : i32 to index
      %swap3A_50 = arith.constant 16 : index
      %swap3A_51 = tpu.vector_load %arg10[%swap3A_49, %swap3A_50] {strides = array<i32>} : memref<128x64xf32, #tpu.memory_space<vmem>>, vector<1x16xf32>,
      %swap3A_52 = vector.shape_cast %swap3A_51 : vector<1x16xf32> to vector<16xf32>
      %swap3A_53 = vector.shape_cast %broadcast_in_dim3A_48 : vector<16xf32> to vector<1x16xf32>
      tpu.vector_store %arg10[%swap3A_49, %swap3A_50], %swap3A_53 {strides = array<i32>} : memref<128x64xf32, #tpu.memory_space<vmem>>, vector<1x16xf32>,
      %broadcast_in_dim3A_54 = arith.constant 0.000000e+00 : f32
      %broadcast_in_dim3A_55 = vector.broadcast %broadcast_in_dim3A_54 : f32 to vector<16xf32>
      %swap3A_56 = arith.index_cast %scan3A_41 : i32 to index
      %swap3A_57 = arith.constant 32 : index
      %swap3A_58 = tpu.vector_load %arg10[%swap3A_56, %swap3A_57] {strides = array<i32>} : memref<128x64xf32, #tpu.memory_space<vmem>>, vector<1x16xf32>,
      %swap3A_59 = vector.shape_cast %swap3A_58 : vector<1x16xf32> to vector<16xf32>
      %swap3A_60 = vector.shape_cast %broadcast_in_dim3A_55 : vector<16xf32> to vector<1x16xf32>
      tpu.vector_store %arg10[%swap3A_56, %swap3A_57], %swap3A_60 {strides = array<i32>} : memref<128x64xf32, #tpu.memory_space<vmem>>, vector<1x16xf32>,
      %broadcast_in_dim3A_61 = arith.constant 0.000000e+00 : f32
      %broadcast_in_dim3A_62 = vector.broadcast %broadcast_in_dim3A_61 : f32 to vector<16xf32>
      %swap3A_63 = arith.index_cast %scan3A_41 : i32 to index
      %swap3A_64 = arith.constant 48 : index
      %swap3A_65 = tpu.vector_load %arg10[%swap3A_63, %swap3A_64] {strides = array<i32>} : memref<128x64xf32, #tpu.memory_space<vmem>>, vector<1x16xf32>,
      %swap3A_66 = vector.shape_cast %swap3A_65 : vector<1x16xf32> to vector<16xf32>
      %swap3A_67 = vector.shape_cast %broadcast_in_dim3A_62 : vector<16xf32> to vector<1x16xf32>
      tpu.vector_store %arg10[%swap3A_63, %swap3A_64], %swap3A_67 {strides = array<i32>} : memref<128x64xf32, #tpu.memory_space<vmem>>, vector<1x16xf32>,
    }
    %scan3A_5 = arith.constant 128 : i32
    %mul3A_6 = arith.constant 640 : i32
    %mul3A_7 = arith.muli %arg1, %mul3A_6 : i32
    %add3A_8 = arith.constant 0 : i32
    %add3A_9 = arith.addi %mul3A_7, %add3A_8 : i32
    "tpu.region"() ({
      %run_scoped3A = tpu.sem_alloc : memref<!tpu.dma_semaphore, #tpu.memory_space<semaphore_mem>>
      %dma_start3A_41 = arith.constant 0 : i32
      %dma_start3A_42 = tpu.memref_slice %arg11[%add3A_9, %dma_start3A_41] : memref<10240x64xf32, #tpu.memory_space<vmem_shared>> -> memref<128x64xf32, #tpu.memory_space<vmem_shared>>
      %dma_start3A_43 = arith.constant 0 : i32
      %dma_start3A_44 = tpu.memref_slice %arg11[%add3A_9, %dma_start3A_43] : memref<10240x64xf32, #tpu.memory_space<vmem_shared>> -> memref<128x64xf32, #tpu.memory_space<vmem_shared>>
      tpu.enqueue_dma source(%arg10 : memref<128x64xf32, #tpu.memory_space<vmem>>) target(%dma_start3A_44 : memref<128x64xf32, #tpu.memory_space<vmem_shared>>) target_semaphore(%run_scoped3A : memref<!tpu.dma_semaphore, #tpu.memory_space<semaphore_mem>>)
      %dma_wait3A = arith.constant 0 : i32
      %dma_wait3A_45 = tpu.memref_slice %arg11[%add3A_9, %dma_wait3A] : memref<10240x64xf32, #tpu.memory_space<vmem_shared>> -> memref<128x64xf32, #tpu.memory_space<vmem_shared>>
      %dma_wait3A_46 = arith.constant 0 : i32
      %dma_wait3A_47 = tpu.memref_slice %arg11[%add3A_9, %dma_wait3A_46] : memref<10240x64xf32, #tpu.memory_space<vmem_shared>> -> memref<128x64xf32, #tpu.memory_space<vmem_shared>>
      tpu.wait_dma2 semaphore(%run_scoped3A : memref<!tpu.dma_semaphore, #tpu.memory_space<semaphore_mem>>) src(%arg10 : memref<128x64xf32, #tpu.memory_space<vmem>>) dst(%dma_wait3A_47 : memref<128x64xf32, #tpu.memory_space<vmem_shared>>)
      tpu.yield
    }) : () -> ()
    %add3A_10 = arith.constant 128 : i32
    %add3A_11 = arith.addi %mul3A_7, %add3A_10 : i32
    "tpu.region"() ({
      %run_scoped3A = tpu.sem_alloc : memref<!tpu.dma_semaphore, #tpu.memory_space<semaphore_mem>>
      %dma_start3A_41 = arith.constant 0 : i32
      %dma_start3A_42 = tpu.memref_slice %arg11[%add3A_11, %dma_start3A_41] : memref<10240x64xf32, #tpu.memory_space<vmem_shared>> -> memref<128x64xf32, #tpu.memory_space<vmem_shared>>
      %dma_start3A_43 = arith.constant 0 : i32
      %dma_start3A_44 = tpu.memref_slice %arg11[%add3A_11, %dma_start3A_43] : memref<10240x64xf32, #tpu.memory_space<vmem_shared>> -> memref<128x64xf32, #tpu.memory_space<vmem_shared>>
      tpu.enqueue_dma source(%arg10 : memref<128x64xf32, #tpu.memory_space<vmem>>) target(%dma_start3A_44 : memref<128x64xf32, #tpu.memory_space<vmem_shared>>) target_semaphore(%run_scoped3A : memref<!tpu.dma_semaphore, #tpu.memory_space<semaphore_mem>>)
      %dma_wait3A = arith.constant 0 : i32
      %dma_wait3A_45 = tpu.memref_slice %arg11[%add3A_11, %dma_wait3A] : memref<10240x64xf32, #tpu.memory_space<vmem_shared>> -> memref<128x64xf32, #tpu.memory_space<vmem_shared>>
      %dma_wait3A_46 = arith.constant 0 : i32
      %dma_wait3A_47 = tpu.memref_slice %arg11[%add3A_11, %dma_wait3A_46] : memref<10240x64xf32, #tpu.memory_space<vmem_shared>> -> memref<128x64xf32, #tpu.memory_space<vmem_shared>>
      tpu.wait_dma2 semaphore(%run_scoped3A : memref<!tpu.dma_semaphore, #tpu.memory_space<semaphore_mem>>) src(%arg10 : memref<128x64xf32, #tpu.memory_space<vmem>>) dst(%dma_wait3A_47 : memref<128x64xf32, #tpu.memory_space<vmem_shared>>)
      tpu.yield
    }) : () -> ()
    %add3A_12 = arith.constant 256 : i32
    %add3A_13 = arith.addi %mul3A_7, %add3A_12 : i32
    "tpu.region"() ({
      %run_scoped3A = tpu.sem_alloc : memref<!tpu.dma_semaphore, #tpu.memory_space<semaphore_mem>>
      %dma_start3A_41 = arith.constant 0 : i32
      %dma_start3A_42 = tpu.memref_slice %arg11[%add3A_13, %dma_start3A_41] : memref<10240x64xf32, #tpu.memory_space<vmem_shared>> -> memref<128x64xf32, #tpu.memory_space<vmem_shared>>
      %dma_start3A_43 = arith.constant 0 : i32
      %dma_start3A_44 = tpu.memref_slice %arg11[%add3A_13, %dma_start3A_43] : memref<10240x64xf32, #tpu.memory_space<vmem_shared>> -> memref<128x64xf32, #tpu.memory_space<vmem_shared>>
      tpu.enqueue_dma source(%arg10 : memref<128x64xf32, #tpu.memory_space<vmem>>) target(%dma_start3A_44 : memref<128x64xf32, #tpu.memory_space<vmem_shared>>) target_semaphore(%run_scoped3A : memref<!tpu.dma_semaphore, #tpu.memory_space<semaphore_mem>>)
      %dma_wait3A = arith.constant 0 : i32
      %dma_wait3A_45 = tpu.memref_slice %arg11[%add3A_13, %dma_wait3A] : memref<10240x64xf32, #tpu.memory_space<vmem_shared>> -> memref<128x64xf32, #tpu.memory_space<vmem_shared>>
      %dma_wait3A_46 = arith.constant 0 : i32
      %dma_wait3A_47 = tpu.memref_slice %arg11[%add3A_13, %dma_wait3A_46] : memref<10240x64xf32, #tpu.memory_space<vmem_shared>> -> memref<128x64xf32, #tpu.memory_space<vmem_shared>>
      tpu.wait_dma2 semaphore(%run_scoped3A : memref<!tpu.dma_semaphore, #tpu.memory_space<semaphore_mem>>) src(%arg10 : memref<128x64xf32, #tpu.memory_space<vmem>>) dst(%dma_wait3A_47 : memref<128x64xf32, #tpu.memory_space<vmem_shared>>)
      tpu.yield
    }) : () -> ()
    %add3A_14 = arith.constant 384 : i32
    %add3A_15 = arith.addi %mul3A_7, %add3A_14 : i32
    "tpu.region"() ({
      %run_scoped3A = tpu.sem_alloc : memref<!tpu.dma_semaphore, #tpu.memory_space<semaphore_mem>>
      %dma_start3A_41 = arith.constant 0 : i32
      %dma_start3A_42 = tpu.memref_slice %arg11[%add3A_15, %dma_start3A_41] : memref<10240x64xf32, #tpu.memory_space<vmem_shared>> -> memref<128x64xf32, #tpu.memory_space<vmem_shared>>
      %dma_start3A_43 = arith.constant 0 : i32
      %dma_start3A_44 = tpu.memref_slice %arg11[%add3A_15, %dma_start3A_43] : memref<10240x64xf32, #tpu.memory_space<vmem_shared>> -> memref<128x64xf32, #tpu.memory_space<vmem_shared>>
      tpu.enqueue_dma source(%arg10 : memref<128x64xf32, #tpu.memory_space<vmem>>) target(%dma_start3A_44 : memref<128x64xf32, #tpu.memory_space<vmem_shared>>) target_semaphore(%run_scoped3A : memref<!tpu.dma_semaphore, #tpu.memory_space<semaphore_mem>>)
      %dma_wait3A = arith.constant 0 : i32
      %dma_wait3A_45 = tpu.memref_slice %arg11[%add3A_15, %dma_wait3A] : memref<10240x64xf32, #tpu.memory_space<vmem_shared>> -> memref<128x64xf32, #tpu.memory_space<vmem_shared>>
      %dma_wait3A_46 = arith.constant 0 : i32
      %dma_wait3A_47 = tpu.memref_slice %arg11[%add3A_15, %dma_wait3A_46] : memref<10240x64xf32, #tpu.memory_space<vmem_shared>> -> memref<128x64xf32, #tpu.memory_space<vmem_shared>>
      tpu.wait_dma2 semaphore(%run_scoped3A : memref<!tpu.dma_semaphore, #tpu.memory_space<semaphore_mem>>) src(%arg10 : memref<128x64xf32, #tpu.memory_space<vmem>>) dst(%dma_wait3A_47 : memref<128x64xf32, #tpu.memory_space<vmem_shared>>)
      tpu.yield
    }) : () -> ()
    %add3A_16 = arith.constant 512 : i32
    %add3A_17 = arith.addi %mul3A_7, %add3A_16 : i32
    "tpu.region"() ({
      %run_scoped3A = tpu.sem_alloc : memref<!tpu.dma_semaphore, #tpu.memory_space<semaphore_mem>>
      %dma_start3A_41 = arith.constant 0 : i32
      %dma_start3A_42 = tpu.memref_slice %arg11[%add3A_17, %dma_start3A_41] : memref<10240x64xf32, #tpu.memory_space<vmem_shared>> -> memref<128x64xf32, #tpu.memory_space<vmem_shared>>
      %dma_start3A_43 = arith.constant 0 : i32
      %dma_start3A_44 = tpu.memref_slice %arg11[%add3A_17, %dma_start3A_43] : memref<10240x64xf32, #tpu.memory_space<vmem_shared>> -> memref<128x64xf32, #tpu.memory_space<vmem_shared>>
      tpu.enqueue_dma source(%arg10 : memref<128x64xf32, #tpu.memory_space<vmem>>) target(%dma_start3A_44 : memref<128x64xf32, #tpu.memory_space<vmem_shared>>) target_semaphore(%run_scoped3A : memref<!tpu.dma_semaphore, #tpu.memory_space<semaphore_mem>>)
      %dma_wait3A = arith.constant 0 : i32
      %dma_wait3A_45 = tpu.memref_slice %arg11[%add3A_17, %dma_wait3A] : memref<10240x64xf32, #tpu.memory_space<vmem_shared>> -> memref<128x64xf32, #tpu.memory_space<vmem_shared>>
      %dma_wait3A_46 = arith.constant 0 : i32
      %dma_wait3A_47 = tpu.memref_slice %arg11[%add3A_17, %dma_wait3A_46] : memref<10240x64xf32, #tpu.memory_space<vmem_shared>> -> memref<128x64xf32, #tpu.memory_space<vmem_shared>>
      tpu.wait_dma2 semaphore(%run_scoped3A : memref<!tpu.dma_semaphore, #tpu.memory_space<semaphore_mem>>) src(%arg10 : memref<128x64xf32, #tpu.memory_space<vmem>>) dst(%dma_wait3A_47 : memref<128x64xf32, #tpu.memory_space<vmem_shared>>)
      tpu.yield
    }) : () -> ()
    "tpu.region"() ({
      %run_scoped3A = tpu.sem_alloc : memref<!tpu.dma_semaphore, #tpu.memory_space<semaphore_mem>>
      %dma_start3A_41 = arith.constant 0 : i32
      %dma_start3A_42 = arith.constant 0 : i32
      %dma_start3A_43 = tpu.memref_slice %arg3[%add3A, %dma_start3A_41, %dma_start3A_42] : memref<32x80x128xi32, #tpu.memory_space<hbm>> -> memref<1x80x128xi32, #tpu.memory_space<hbm>>
      %dma_start3A_44 = tpu.memref_squeeze %dma_start3A_43 : memref<1x80x128xi32, #tpu.memory_space<hbm>> -> memref<80x128xi32, #tpu.memory_space<hbm>>
      %dma_start3A_45 = arith.constant 0 : i32
      %dma_start3A_46 = arith.constant 0 : i32
      %dma_start3A_47 = tpu.memref_slice %arg3[%add3A, %dma_start3A_45, %dma_start3A_46] : memref<32x80x128xi32, #tpu.memory_space<hbm>> -> memref<1x80x128xi32, #tpu.memory_space<hbm>>
      %dma_start3A_48 = tpu.memref_squeeze %dma_start3A_47 : memref<1x80x128xi32, #tpu.memory_space<hbm>> -> memref<80x128xi32, #tpu.memory_space<hbm>>
      tpu.enqueue_dma source(%dma_start3A_48 : memref<80x128xi32, #tpu.memory_space<hbm>>) target(%arg6 : memref<80x128xi32, #tpu.memory_space<vmem>>) target_semaphore(%run_scoped3A : memref<!tpu.dma_semaphore, #tpu.memory_space<semaphore_mem>>)
      %dma_wait3A = arith.constant 0 : i32
      %dma_wait3A_49 = arith.constant 0 : i32
      %dma_wait3A_50 = tpu.memref_slice %arg3[%add3A, %dma_wait3A, %dma_wait3A_49] : memref<32x80x128xi32, #tpu.memory_space<hbm>> -> memref<1x80x128xi32, #tpu.memory_space<hbm>>
      %dma_wait3A_51 = tpu.memref_squeeze %dma_wait3A_50 : memref<1x80x128xi32, #tpu.memory_space<hbm>> -> memref<80x128xi32, #tpu.memory_space<hbm>>
      %dma_wait3A_52 = arith.constant 0 : i32
      %dma_wait3A_53 = arith.constant 0 : i32
      %dma_wait3A_54 = tpu.memref_slice %arg3[%add3A, %dma_wait3A_52, %dma_wait3A_53] : memref<32x80x128xi32, #tpu.memory_space<hbm>> -> memref<1x80x128xi32, #tpu.memory_space<hbm>>
      %dma_wait3A_55 = tpu.memref_squeeze %dma_wait3A_54 : memref<1x80x128xi32, #tpu.memory_space<hbm>> -> memref<80x128xi32, #tpu.memory_space<hbm>>
      tpu.wait_dma2 semaphore(%run_scoped3A : memref<!tpu.dma_semaphore, #tpu.memory_space<semaphore_mem>>) src(%dma_wait3A_55 : memref<80x128xi32, #tpu.memory_space<hbm>>) dst(%arg6 : memref<80x128xi32, #tpu.memory_space<vmem>>)
      tpu.yield
    }) : () -> ()
    "tpu.region"() ({
      %run_scoped3A = tpu.sem_alloc : memref<!tpu.dma_semaphore, #tpu.memory_space<semaphore_mem>>
      %dma_start3A_41 = arith.constant 0 : i32
      %dma_start3A_42 = arith.constant 0 : i32
      %dma_start3A_43 = tpu.memref_slice %arg4[%add3A, %dma_start3A_41, %dma_start3A_42] : memref<32x80x128xi32, #tpu.memory_space<hbm>> -> memref<1x80x128xi32, #tpu.memory_space<hbm>>
      %dma_start3A_44 = tpu.memref_squeeze %dma_start3A_43 : memref<1x80x128xi32, #tpu.memory_space<hbm>> -> memref<80x128xi32, #tpu.memory_space<hbm>>
      %dma_start3A_45 = arith.constant 0 : i32
      %dma_start3A_46 = arith.constant 0 : i32
      %dma_start3A_47 = tpu.memref_slice %arg4[%add3A, %dma_start3A_45, %dma_start3A_46] : memref<32x80x128xi32, #tpu.memory_space<hbm>> -> memref<1x80x128xi32, #tpu.memory_space<hbm>>
      %dma_start3A_48 = tpu.memref_squeeze %dma_start3A_47 : memref<1x80x128xi32, #tpu.memory_space<hbm>> -> memref<80x128xi32, #tpu.memory_space<hbm>>
      tpu.enqueue_dma source(%dma_start3A_48 : memref<80x128xi32, #tpu.memory_space<hbm>>) target(%arg7 : memref<80x128xi32, #tpu.memory_space<vmem>>) target_semaphore(%run_scoped3A : memref<!tpu.dma_semaphore, #tpu.memory_space<semaphore_mem>>)
      %dma_wait3A = arith.constant 0 : i32
      %dma_wait3A_49 = arith.constant 0 : i32
      %dma_wait3A_50 = tpu.memref_slice %arg4[%add3A, %dma_wait3A, %dma_wait3A_49] : memref<32x80x128xi32, #tpu.memory_space<hbm>> -> memref<1x80x128xi32, #tpu.memory_space<hbm>>
      %dma_wait3A_51 = tpu.memref_squeeze %dma_wait3A_50 : memref<1x80x128xi32, #tpu.memory_space<hbm>> -> memref<80x128xi32, #tpu.memory_space<hbm>>
      %dma_wait3A_52 = arith.constant 0 : i32
      %dma_wait3A_53 = arith.constant 0 : i32
      %dma_wait3A_54 = tpu.memref_slice %arg4[%add3A, %dma_wait3A_52, %dma_wait3A_53] : memref<32x80x128xi32, #tpu.memory_space<hbm>> -> memref<1x80x128xi32, #tpu.memory_space<hbm>>
      %dma_wait3A_55 = tpu.memref_squeeze %dma_wait3A_54 : memref<1x80x128xi32, #tpu.memory_space<hbm>> -> memref<80x128xi32, #tpu.memory_space<hbm>>
      tpu.wait_dma2 semaphore(%run_scoped3A : memref<!tpu.dma_semaphore, #tpu.memory_space<semaphore_mem>>) src(%dma_wait3A_55 : memref<80x128xi32, #tpu.memory_space<hbm>>) dst(%arg7 : memref<80x128xi32, #tpu.memory_space<vmem>>)
      tpu.yield
    }) : () -> ()
    %barrier3A = arith.constant 0 : index
    tpu.barrier barrier_id(%barrier3A)
    %dma_start3A = arith.constant 0 : i32
    %dma_start3A_18 = arith.constant 0 : i32
    %dma_start3A_19 = tpu.memref_slice %arg6[%dma_start3A, %dma_start3A_18] : memref<80x128xi32, #tpu.memory_space<vmem>> -> memref<1x128xi32, #tpu.memory_space<vmem>>
    %dma_start3A_20 = tpu.memref_squeeze %dma_start3A_19 : memref<1x128xi32, #tpu.memory_space<vmem>> -> memref<128xi32, #tpu.memory_space<vmem>>
    %dma_start3A_21 = arith.constant 0 : i32
    %dma_start3A_22 = arith.constant 0 : i32
    %dma_start3A_23 = tpu.memref_slice %arg2[%dma_start3A_21, %dma_start3A_22] : memref<10000x64xf32, #tpu.memory_space<hbm>> -> memref<10000x64xf32, #tpu.memory_space<hbm>>
    tpu.enqueue_indirect_dma source(%dma_start3A_23 : memref<10000x64xf32, #tpu.memory_space<hbm>>) target(%arg8 : memref<128x64xf32, #tpu.memory_space<vmem>>) offsets(%dma_start3A_20 : memref<128xi32, #tpu.memory_space<vmem>>) semaphore(%arg12 : memref<!tpu.dma_semaphore, #tpu.memory_space<semaphore_mem>>)
    %scan3A_24 = arith.constant 0 : i32
    %scan3A_25 = arith.constant 0 : i32
    %scan3A_26 = arith.constant 40 : i32
    %scan3A_27 = arith.addi %scan3A_25, %scan3A_26 : i32
    %scan3A_28 = arith.constant 1 : i32
    scf.for %scan3A_41 = %scan3A_25 to %scan3A_27 step %scan3A_28  : i32 {
      %mul3A_42 = arith.constant 2 : i32
      %mul3A_43 = arith.muli %mul3A_42, %scan3A_41 : i32
      %add3A_44 = arith.constant 1 : i32
      %add3A_45 = arith.addi %mul3A_43, %add3A_44 : i32
      %dma_start3A_46 = arith.constant 0 : i32
      %dma_start3A_47 = tpu.memref_slice %arg6[%add3A_45, %dma_start3A_46] : memref<80x128xi32, #tpu.memory_space<vmem>> -> memref<1x128xi32, #tpu.memory_space<vmem>>
      %dma_start3A_48 = tpu.memref_squeeze %dma_start3A_47 : memref<1x128xi32, #tpu.memory_space<vmem>> -> memref<128xi32, #tpu.memory_space<vmem>>
      %dma_start3A_49 = arith.constant 0 : i32
      %dma_start3A_50 = arith.constant 0 : i32
      %dma_start3A_51 = tpu.memref_slice %arg2[%dma_start3A_49, %dma_start3A_50] : memref<10000x64xf32, #tpu.memory_space<hbm>> -> memref<10000x64xf32, #tpu.memory_space<hbm>>
      tpu.enqueue_indirect_dma source(%dma_start3A_51 : memref<10000x64xf32, #tpu.memory_space<hbm>>) target(%arg9 : memref<128x64xf32, #tpu.memory_space<vmem>>) offsets(%dma_start3A_48 : memref<128xi32, #tpu.memory_space<vmem>>) semaphore(%arg13 : memref<!tpu.dma_semaphore, #tpu.memory_space<semaphore_mem>>)
      %dma_wait3A = arith.constant 0 : i32
      %dma_wait3A_52 = tpu.memref_slice %arg6[%mul3A_43, %dma_wait3A] : memref<80x128xi32, #tpu.memory_space<vmem>> -> memref<1x128xi32, #tpu.memory_space<vmem>>
      %dma_wait3A_53 = tpu.memref_squeeze %dma_wait3A_52 : memref<1x128xi32, #tpu.memory_space<vmem>> -> memref<128xi32, #tpu.memory_space<vmem>>
      %dma_wait3A_54 = arith.constant 0 : i32
      %dma_wait3A_55 = arith.constant 0 : i32
      %dma_wait3A_56 = tpu.memref_slice %arg2[%dma_wait3A_54, %dma_wait3A_55] : memref<10000x64xf32, #tpu.memory_space<hbm>> -> memref<10000x64xf32, #tpu.memory_space<hbm>>
      tpu.wait_indirect_dma semaphore(%arg12 : memref<!tpu.dma_semaphore, #tpu.memory_space<semaphore_mem>>) src(%dma_wait3A_56 : memref<10000x64xf32, #tpu.memory_space<hbm>>) dst(%arg8 : memref<128x64xf32, #tpu.memory_space<vmem>>)
      "tpu.region"() ({
        %run_scoped3A = tpu.sem_alloc : memref<!tpu.dma_semaphore, #tpu.memory_space<semaphore_mem>>
        %dma_start3A_71 = arith.constant 0 : i32
        %dma_start3A_72 = tpu.memref_slice %arg7[%mul3A_43, %dma_start3A_71] : memref<80x128xi32, #tpu.memory_space<vmem>> -> memref<1x128xi32, #tpu.memory_space<vmem>>
        %dma_start3A_73 = tpu.memref_squeeze %dma_start3A_72 : memref<1x128xi32, #tpu.memory_space<vmem>> -> memref<128xi32, #tpu.memory_space<vmem>>
        %dma_start3A_74 = arith.constant 0 : i32
        %dma_start3A_75 = arith.constant 0 : i32
        %dma_start3A_76 = tpu.memref_slice %arg11[%dma_start3A_74, %dma_start3A_75] : memref<10240x64xf32, #tpu.memory_space<vmem_shared>> -> memref<10240x64xf32, #tpu.memory_space<vmem_shared>>
        tpu.enqueue_indirect_dma source(%arg8 : memref<128x64xf32, #tpu.memory_space<vmem>>) target(%dma_start3A_76 : memref<10240x64xf32, #tpu.memory_space<vmem_shared>>) offsets(%dma_start3A_73 : memref<128xi32, #tpu.memory_space<vmem>>) semaphore(%run_scoped3A : memref<!tpu.dma_semaphore, #tpu.memory_space<semaphore_mem>>) {add = true}
        %dma_wait3A_77 = arith.constant 0 : i32
        %dma_wait3A_78 = tpu.memref_slice %arg7[%mul3A_43, %dma_wait3A_77] : memref<80x128xi32, #tpu.memory_space<vmem>> -> memref<1x128xi32, #tpu.memory_space<vmem>>
        %dma_wait3A_79 = tpu.memref_squeeze %dma_wait3A_78 : memref<1x128xi32, #tpu.memory_space<vmem>> -> memref<128xi32, #tpu.memory_space<vmem>>
        %dma_wait3A_80 = arith.constant 0 : i32
        %dma_wait3A_81 = arith.constant 0 : i32
        %dma_wait3A_82 = tpu.memref_slice %arg11[%dma_wait3A_80, %dma_wait3A_81] : memref<10240x64xf32, #tpu.memory_space<vmem_shared>> -> memref<10240x64xf32, #tpu.memory_space<vmem_shared>>
        tpu.wait_indirect_dma semaphore(%run_scoped3A : memref<!tpu.dma_semaphore, #tpu.memory_space<semaphore_mem>>) src(%arg8 : memref<128x64xf32, #tpu.memory_space<vmem>>) dst(%dma_wait3A_82 : memref<10240x64xf32, #tpu.memory_space<vmem_shared>>)
        tpu.yield
      }) : () -> ()
      %add3A_57 = arith.constant 2 : i32
      %add3A_58 = arith.addi %mul3A_43, %add3A_57 : i32
      %lt3A = arith.constant 80 : i32
      %lt3A_59 = arith.cmpi slt, %add3A_58, %lt3A : i32
      %convert_element_type3A = arith.extui %lt3A_59 : i1 to i32
      %cond3A = arith.constant 0 : i32
      %cond3A_60 = arith.cmpi ne, %convert_element_type3A, %cond3A : i32
      scf.if %cond3A_60 {
        %add3A_71 = arith.constant 2 : i32
        %add3A_72 = arith.addi %mul3A_43, %add3A_71 : i32
        %dma_start3A_73 = arith.constant 0 : i32
        %dma_start3A_74 = tpu.memref_slice %arg6[%add3A_72, %dma_start3A_73] : memref<80x128xi32, #tpu.memory_space<vmem>> -> memref<1x128xi32, #tpu.memory_space<vmem>>
        %dma_start3A_75 = tpu.memref_squeeze %dma_start3A_74 : memref<1x128xi32, #tpu.memory_space<vmem>> -> memref<128xi32, #tpu.memory_space<vmem>>
        %dma_start3A_76 = arith.constant 0 : i32
        %dma_start3A_77 = arith.constant 0 : i32
        %dma_start3A_78 = tpu.memref_slice %arg2[%dma_start3A_76, %dma_start3A_77] : memref<10000x64xf32, #tpu.memory_space<hbm>> -> memref<10000x64xf32, #tpu.memory_space<hbm>>
        tpu.enqueue_indirect_dma source(%dma_start3A_78 : memref<10000x64xf32, #tpu.memory_space<hbm>>) target(%arg8 : memref<128x64xf32, #tpu.memory_space<vmem>>) offsets(%dma_start3A_75 : memref<128xi32, #tpu.memory_space<vmem>>) semaphore(%arg12 : memref<!tpu.dma_semaphore, #tpu.memory_space<semaphore_mem>>)
      } else {
      }
      %add3A_61 = arith.constant 1 : i32
      %add3A_62 = arith.addi %mul3A_43, %add3A_61 : i32
      %dma_wait3A_63 = arith.constant 0 : i32
      %dma_wait3A_64 = tpu.memref_slice %arg6[%add3A_62, %dma_wait3A_63] : memref<80x128xi32, #tpu.memory_space<vmem>> -> memref<1x128xi32, #tpu.memory_space<vmem>>
      %dma_wait3A_65 = tpu.memref_squeeze %dma_wait3A_64 : memref<1x128xi32, #tpu.memory_space<vmem>> -> memref<128xi32, #tpu.memory_space<vmem>>
      %dma_wait3A_66 = arith.constant 0 : i32
      %dma_wait3A_67 = arith.constant 0 : i32
      %dma_wait3A_68 = tpu.memref_slice %arg2[%dma_wait3A_66, %dma_wait3A_67] : memref<10000x64xf32, #tpu.memory_space<hbm>> -> memref<10000x64xf32, #tpu.memory_space<hbm>>
      tpu.wait_indirect_dma semaphore(%arg13 : memref<!tpu.dma_semaphore, #tpu.memory_space<semaphore_mem>>) src(%dma_wait3A_68 : memref<10000x64xf32, #tpu.memory_space<hbm>>) dst(%arg9 : memref<128x64xf32, #tpu.memory_space<vmem>>)
      %add3A_69 = arith.constant 1 : i32
      %add3A_70 = arith.addi %mul3A_43, %add3A_69 : i32
      "tpu.region"() ({
        %run_scoped3A = tpu.sem_alloc : memref<!tpu.dma_semaphore, #tpu.memory_space<semaphore_mem>>
        %dma_start3A_71 = arith.constant 0 : i32
        %dma_start3A_72 = tpu.memref_slice %arg7[%add3A_70, %dma_start3A_71] : memref<80x128xi32, #tpu.memory_space<vmem>> -> memref<1x128xi32, #tpu.memory_space<vmem>>
        %dma_start3A_73 = tpu.memref_squeeze %dma_start3A_72 : memref<1x128xi32, #tpu.memory_space<vmem>> -> memref<128xi32, #tpu.memory_space<vmem>>
        %dma_start3A_74 = arith.constant 0 : i32
        %dma_start3A_75 = arith.constant 0 : i32
        %dma_start3A_76 = tpu.memref_slice %arg11[%dma_start3A_74, %dma_start3A_75] : memref<10240x64xf32, #tpu.memory_space<vmem_shared>> -> memref<10240x64xf32, #tpu.memory_space<vmem_shared>>
        tpu.enqueue_indirect_dma source(%arg9 : memref<128x64xf32, #tpu.memory_space<vmem>>) target(%dma_start3A_76 : memref<10240x64xf32, #tpu.memory_space<vmem_shared>>) offsets(%dma_start3A_73 : memref<128xi32, #tpu.memory_space<vmem>>) semaphore(%run_scoped3A : memref<!tpu.dma_semaphore, #tpu.memory_space<semaphore_mem>>) {add = true}
        %dma_wait3A_77 = arith.constant 0 : i32
        %dma_wait3A_78 = tpu.memref_slice %arg7[%add3A_70, %dma_wait3A_77] : memref<80x128xi32, #tpu.memory_space<vmem>> -> memref<1x128xi32, #tpu.memory_space<vmem>>
        %dma_wait3A_79 = tpu.memref_squeeze %dma_wait3A_78 : memref<1x128xi32, #tpu.memory_space<vmem>> -> memref<128xi32, #tpu.memory_space<vmem>>
        %dma_wait3A_80 = arith.constant 0 : i32
        %dma_wait3A_81 = arith.constant 0 : i32
        %dma_wait3A_82 = tpu.memref_slice %arg11[%dma_wait3A_80, %dma_wait3A_81] : memref<10240x64xf32, #tpu.memory_space<vmem_shared>> -> memref<10240x64xf32, #tpu.memory_space<vmem_shared>>
        tpu.wait_indirect_dma semaphore(%run_scoped3A : memref<!tpu.dma_semaphore, #tpu.memory_space<semaphore_mem>>) src(%arg9 : memref<128x64xf32, #tpu.memory_space<vmem>>) dst(%dma_wait3A_82 : memref<10240x64xf32, #tpu.memory_space<vmem_shared>>)
        tpu.yield
      }) : () -> ()
    }
    %scan3A_29 = arith.constant 40 : i32
    %barrier3A_30 = arith.constant 0 : index
    tpu.barrier barrier_id(%barrier3A_30)
    %add3A_31 = arith.constant 0 : i32
    %add3A_32 = arith.addi %mul3A_7, %add3A_31 : i32
    "tpu.region"() ({
      %run_scoped3A = tpu.sem_alloc : memref<!tpu.dma_semaphore, #tpu.memory_space<semaphore_mem>>
      %dma_start3A_41 = arith.constant 0 : i32
      %dma_start3A_42 = tpu.memref_slice %arg11[%add3A_32, %dma_start3A_41] : memref<10240x64xf32, #tpu.memory_space<vmem_shared>> -> memref<128x64xf32, #tpu.memory_space<vmem_shared>>
      %dma_start3A_43 = arith.constant 0 : i32
      %dma_start3A_44 = tpu.memref_slice %arg11[%add3A_32, %dma_start3A_43] : memref<10240x64xf32, #tpu.memory_space<vmem_shared>> -> memref<128x64xf32, #tpu.memory_space<vmem_shared>>
      tpu.enqueue_dma source(%dma_start3A_44 : memref<128x64xf32, #tpu.memory_space<vmem_shared>>) target(%arg10 : memref<128x64xf32, #tpu.memory_space<vmem>>) target_semaphore(%run_scoped3A : memref<!tpu.dma_semaphore, #tpu.memory_space<semaphore_mem>>)
      %dma_wait3A = arith.constant 0 : i32
      %dma_wait3A_45 = tpu.memref_slice %arg11[%add3A_32, %dma_wait3A] : memref<10240x64xf32, #tpu.memory_space<vmem_shared>> -> memref<128x64xf32, #tpu.memory_space<vmem_shared>>
      %dma_wait3A_46 = arith.constant 0 : i32
      %dma_wait3A_47 = tpu.memref_slice %arg11[%add3A_32, %dma_wait3A_46] : memref<10240x64xf32, #tpu.memory_space<vmem_shared>> -> memref<128x64xf32, #tpu.memory_space<vmem_shared>>
      tpu.wait_dma2 semaphore(%run_scoped3A : memref<!tpu.dma_semaphore, #tpu.memory_space<semaphore_mem>>) src(%dma_wait3A_47 : memref<128x64xf32, #tpu.memory_space<vmem_shared>>) dst(%arg10 : memref<128x64xf32, #tpu.memory_space<vmem>>)
      tpu.yield
    }) : () -> ()
    "tpu.region"() ({
      %run_scoped3A = tpu.sem_alloc : memref<!tpu.dma_semaphore, #tpu.memory_space<semaphore_mem>>
      %dma_start3A_41 = arith.constant 0 : i32
      %dma_start3A_42 = tpu.memref_slice %arg5[%arg0, %add3A_32, %dma_start3A_41] : memref<2x10240x128xf32, #tpu.memory_space<hbm>> -> memref<1x128x64xf32, #tpu.memory_space<hbm>>
      %dma_start3A_43 = tpu.memref_squeeze %dma_start3A_42 : memref<1x128x64xf32, #tpu.memory_space<hbm>> -> memref<128x64xf32, #tpu.memory_space<hbm>>
      %dma_start3A_44 = arith.constant 0 : i32
      %dma_start3A_45 = tpu.memref_slice %arg5[%arg0, %add3A_32, %dma_start3A_44] : memref<2x10240x128xf32, #tpu.memory_space<hbm>> -> memref<1x128x64xf32, #tpu.memory_space<hbm>>
      %dma_start3A_46 = tpu.memref_squeeze %dma_start3A_45 : memref<1x128x64xf32, #tpu.memory_space<hbm>> -> memref<128x64xf32, #tpu.memory_space<hbm>>
      tpu.enqueue_dma source(%arg10 : memref<128x64xf32, #tpu.memory_space<vmem>>) target(%dma_start3A_46 : memref<128x64xf32, #tpu.memory_space<hbm>>) target_semaphore(%run_scoped3A : memref<!tpu.dma_semaphore, #tpu.memory_space<semaphore_mem>>)
      %dma_wait3A = arith.constant 0 : i32
      %dma_wait3A_47 = tpu.memref_slice %arg5[%arg0, %add3A_32, %dma_wait3A] : memref<2x10240x128xf32, #tpu.memory_space<hbm>> -> memref<1x128x64xf32, #tpu.memory_space<hbm>>
      %dma_wait3A_48 = tpu.memref_squeeze %dma_wait3A_47 : memref<1x128x64xf32, #tpu.memory_space<hbm>> -> memref<128x64xf32, #tpu.memory_space<hbm>>
      %dma_wait3A_49 = arith.constant 0 : i32
      %dma_wait3A_50 = tpu.memref_slice %arg5[%arg0, %add3A_32, %dma_wait3A_49] : memref<2x10240x128xf32, #tpu.memory_space<hbm>> -> memref<1x128x64xf32, #tpu.memory_space<hbm>>
      %dma_wait3A_51 = tpu.memref_squeeze %dma_wait3A_50 : memref<1x128x64xf32, #tpu.memory_space<hbm>> -> memref<128x64xf32, #tpu.memory_space<hbm>>
      tpu.wait_dma2 semaphore(%run_scoped3A : memref<!tpu.dma_semaphore, #tpu.memory_space<semaphore_mem>>) src(%arg10 : memref<128x64xf32, #tpu.memory_space<vmem>>) dst(%dma_wait3A_51 : memref<128x64xf32, #tpu.memory_space<hbm>>)
      tpu.yield
    }) : () -> ()
    %add3A_33 = arith.constant 128 : i32
    %add3A_34 = arith.addi %mul3A_7, %add3A_33 : i32
    "tpu.region"() ({
      %run_scoped3A = tpu.sem_alloc : memref<!tpu.dma_semaphore, #tpu.memory_space<semaphore_mem>>
      %dma_start3A_41 = arith.constant 0 : i32
      %dma_start3A_42 = tpu.memref_slice %arg11[%add3A_34, %dma_start3A_41] : memref<10240x64xf32, #tpu.memory_space<vmem_shared>> -> memref<128x64xf32, #tpu.memory_space<vmem_shared>>
      %dma_start3A_43 = arith.constant 0 : i32
      %dma_start3A_44 = tpu.memref_slice %arg11[%add3A_34, %dma_start3A_43] : memref<10240x64xf32, #tpu.memory_space<vmem_shared>> -> memref<128x64xf32, #tpu.memory_space<vmem_shared>>
      tpu.enqueue_dma source(%dma_start3A_44 : memref<128x64xf32, #tpu.memory_space<vmem_shared>>) target(%arg10 : memref<128x64xf32, #tpu.memory_space<vmem>>) target_semaphore(%run_scoped3A : memref<!tpu.dma_semaphore, #tpu.memory_space<semaphore_mem>>)
      %dma_wait3A = arith.constant 0 : i32
      %dma_wait3A_45 = tpu.memref_slice %arg11[%add3A_34, %dma_wait3A] : memref<10240x64xf32, #tpu.memory_space<vmem_shared>> -> memref<128x64xf32, #tpu.memory_space<vmem_shared>>
      %dma_wait3A_46 = arith.constant 0 : i32
      %dma_wait3A_47 = tpu.memref_slice %arg11[%add3A_34, %dma_wait3A_46] : memref<10240x64xf32, #tpu.memory_space<vmem_shared>> -> memref<128x64xf32, #tpu.memory_space<vmem_shared>>
      tpu.wait_dma2 semaphore(%run_scoped3A : memref<!tpu.dma_semaphore, #tpu.memory_space<semaphore_mem>>) src(%dma_wait3A_47 : memref<128x64xf32, #tpu.memory_space<vmem_shared>>) dst(%arg10 : memref<128x64xf32, #tpu.memory_space<vmem>>)
      tpu.yield
    }) : () -> ()
    "tpu.region"() ({
      %run_scoped3A = tpu.sem_alloc : memref<!tpu.dma_semaphore, #tpu.memory_space<semaphore_mem>>
      %dma_start3A_41 = arith.constant 0 : i32
      %dma_start3A_42 = tpu.memref_slice %arg5[%arg0, %add3A_34, %dma_start3A_41] : memref<2x10240x128xf32, #tpu.memory_space<hbm>> -> memref<1x128x64xf32, #tpu.memory_space<hbm>>
      %dma_start3A_43 = tpu.memref_squeeze %dma_start3A_42 : memref<1x128x64xf32, #tpu.memory_space<hbm>> -> memref<128x64xf32, #tpu.memory_space<hbm>>
      %dma_start3A_44 = arith.constant 0 : i32
      %dma_start3A_45 = tpu.memref_slice %arg5[%arg0, %add3A_34, %dma_start3A_44] : memref<2x10240x128xf32, #tpu.memory_space<hbm>> -> memref<1x128x64xf32, #tpu.memory_space<hbm>>
      %dma_start3A_46 = tpu.memref_squeeze %dma_start3A_45 : memref<1x128x64xf32, #tpu.memory_space<hbm>> -> memref<128x64xf32, #tpu.memory_space<hbm>>
      tpu.enqueue_dma source(%arg10 : memref<128x64xf32, #tpu.memory_space<vmem>>) target(%dma_start3A_46 : memref<128x64xf32, #tpu.memory_space<hbm>>) target_semaphore(%run_scoped3A : memref<!tpu.dma_semaphore, #tpu.memory_space<semaphore_mem>>)
      %dma_wait3A = arith.constant 0 : i32
      %dma_wait3A_47 = tpu.memref_slice %arg5[%arg0, %add3A_34, %dma_wait3A] : memref<2x10240x128xf32, #tpu.memory_space<hbm>> -> memref<1x128x64xf32, #tpu.memory_space<hbm>>
      %dma_wait3A_48 = tpu.memref_squeeze %dma_wait3A_47 : memref<1x128x64xf32, #tpu.memory_space<hbm>> -> memref<128x64xf32, #tpu.memory_space<hbm>>
      %dma_wait3A_49 = arith.constant 0 : i32
      %dma_wait3A_50 = tpu.memref_slice %arg5[%arg0, %add3A_34, %dma_wait3A_49] : memref<2x10240x128xf32, #tpu.memory_space<hbm>> -> memref<1x128x64xf32, #tpu.memory_space<hbm>>
      %dma_wait3A_51 = tpu.memref_squeeze %dma_wait3A_50 : memref<1x128x64xf32, #tpu.memory_space<hbm>> -> memref<128x64xf32, #tpu.memory_space<hbm>>
      tpu.wait_dma2 semaphore(%run_scoped3A : memref<!tpu.dma_semaphore, #tpu.memory_space<semaphore_mem>>) src(%arg10 : memref<128x64xf32, #tpu.memory_space<vmem>>) dst(%dma_wait3A_51 : memref<128x64xf32, #tpu.memory_space<hbm>>)
      tpu.yield
    }) : () -> ()
    %add3A_35 = arith.constant 256 : i32
    %add3A_36 = arith.addi %mul3A_7, %add3A_35 : i32
    "tpu.region"() ({
      %run_scoped3A = tpu.sem_alloc : memref<!tpu.dma_semaphore, #tpu.memory_space<semaphore_mem>>
      %dma_start3A_41 = arith.constant 0 : i32
      %dma_start3A_42 = tpu.memref_slice %arg11[%add3A_36, %dma_start3A_41] : memref<10240x64xf32, #tpu.memory_space<vmem_shared>> -> memref<128x64xf32, #tpu.memory_space<vmem_shared>>
      %dma_start3A_43 = arith.constant 0 : i32
      %dma_start3A_44 = tpu.memref_slice %arg11[%add3A_36, %dma_start3A_43] : memref<10240x64xf32, #tpu.memory_space<vmem_shared>> -> memref<128x64xf32, #tpu.memory_space<vmem_shared>>
      tpu.enqueue_dma source(%dma_start3A_44 : memref<128x64xf32, #tpu.memory_space<vmem_shared>>) target(%arg10 : memref<128x64xf32, #tpu.memory_space<vmem>>) target_semaphore(%run_scoped3A : memref<!tpu.dma_semaphore, #tpu.memory_space<semaphore_mem>>)
      %dma_wait3A = arith.constant 0 : i32
      %dma_wait3A_45 = tpu.memref_slice %arg11[%add3A_36, %dma_wait3A] : memref<10240x64xf32, #tpu.memory_space<vmem_shared>> -> memref<128x64xf32, #tpu.memory_space<vmem_shared>>
      %dma_wait3A_46 = arith.constant 0 : i32
      %dma_wait3A_47 = tpu.memref_slice %arg11[%add3A_36, %dma_wait3A_46] : memref<10240x64xf32, #tpu.memory_space<vmem_shared>> -> memref<128x64xf32, #tpu.memory_space<vmem_shared>>
      tpu.wait_dma2 semaphore(%run_scoped3A : memref<!tpu.dma_semaphore, #tpu.memory_space<semaphore_mem>>) src(%dma_wait3A_47 : memref<128x64xf32, #tpu.memory_space<vmem_shared>>) dst(%arg10 : memref<128x64xf32, #tpu.memory_space<vmem>>)
      tpu.yield
    }) : () -> ()
    "tpu.region"() ({
      %run_scoped3A = tpu.sem_alloc : memref<!tpu.dma_semaphore, #tpu.memory_space<semaphore_mem>>
      %dma_start3A_41 = arith.constant 0 : i32
      %dma_start3A_42 = tpu.memref_slice %arg5[%arg0, %add3A_36, %dma_start3A_41] : memref<2x10240x128xf32, #tpu.memory_space<hbm>> -> memref<1x128x64xf32, #tpu.memory_space<hbm>>
      %dma_start3A_43 = tpu.memref_squeeze %dma_start3A_42 : memref<1x128x64xf32, #tpu.memory_space<hbm>> -> memref<128x64xf32, #tpu.memory_space<hbm>>
      %dma_start3A_44 = arith.constant 0 : i32
      %dma_start3A_45 = tpu.memref_slice %arg5[%arg0, %add3A_36, %dma_start3A_44] : memref<2x10240x128xf32, #tpu.memory_space<hbm>> -> memref<1x128x64xf32, #tpu.memory_space<hbm>>
      %dma_start3A_46 = tpu.memref_squeeze %dma_start3A_45 : memref<1x128x64xf32, #tpu.memory_space<hbm>> -> memref<128x64xf32, #tpu.memory_space<hbm>>
      tpu.enqueue_dma source(%arg10 : memref<128x64xf32, #tpu.memory_space<vmem>>) target(%dma_start3A_46 : memref<128x64xf32, #tpu.memory_space<hbm>>) target_semaphore(%run_scoped3A : memref<!tpu.dma_semaphore, #tpu.memory_space<semaphore_mem>>)
      %dma_wait3A = arith.constant 0 : i32
      %dma_wait3A_47 = tpu.memref_slice %arg5[%arg0, %add3A_36, %dma_wait3A] : memref<2x10240x128xf32, #tpu.memory_space<hbm>> -> memref<1x128x64xf32, #tpu.memory_space<hbm>>
      %dma_wait3A_48 = tpu.memref_squeeze %dma_wait3A_47 : memref<1x128x64xf32, #tpu.memory_space<hbm>> -> memref<128x64xf32, #tpu.memory_space<hbm>>
      %dma_wait3A_49 = arith.constant 0 : i32
      %dma_wait3A_50 = tpu.memref_slice %arg5[%arg0, %add3A_36, %dma_wait3A_49] : memref<2x10240x128xf32, #tpu.memory_space<hbm>> -> memref<1x128x64xf32, #tpu.memory_space<hbm>>
      %dma_wait3A_51 = tpu.memref_squeeze %dma_wait3A_50 : memref<1x128x64xf32, #tpu.memory_space<hbm>> -> memref<128x64xf32, #tpu.memory_space<hbm>>
      tpu.wait_dma2 semaphore(%run_scoped3A : memref<!tpu.dma_semaphore, #tpu.memory_space<semaphore_mem>>) src(%arg10 : memref<128x64xf32, #tpu.memory_space<vmem>>) dst(%dma_wait3A_51 : memref<128x64xf32, #tpu.memory_space<hbm>>)
      tpu.yield
    }) : () -> ()
    %add3A_37 = arith.constant 384 : i32
    %add3A_38 = arith.addi %mul3A_7, %add3A_37 : i32
    "tpu.region"() ({
      %run_scoped3A = tpu.sem_alloc : memref<!tpu.dma_semaphore, #tpu.memory_space<semaphore_mem>>
      %dma_start3A_41 = arith.constant 0 : i32
      %dma_start3A_42 = tpu.memref_slice %arg11[%add3A_38, %dma_start3A_41] : memref<10240x64xf32, #tpu.memory_space<vmem_shared>> -> memref<128x64xf32, #tpu.memory_space<vmem_shared>>
      %dma_start3A_43 = arith.constant 0 : i32
      %dma_start3A_44 = tpu.memref_slice %arg11[%add3A_38, %dma_start3A_43] : memref<10240x64xf32, #tpu.memory_space<vmem_shared>> -> memref<128x64xf32, #tpu.memory_space<vmem_shared>>
      tpu.enqueue_dma source(%dma_start3A_44 : memref<128x64xf32, #tpu.memory_space<vmem_shared>>) target(%arg10 : memref<128x64xf32, #tpu.memory_space<vmem>>) target_semaphore(%run_scoped3A : memref<!tpu.dma_semaphore, #tpu.memory_space<semaphore_mem>>)
      %dma_wait3A = arith.constant 0 : i32
      %dma_wait3A_45 = tpu.memref_slice %arg11[%add3A_38, %dma_wait3A] : memref<10240x64xf32, #tpu.memory_space<vmem_shared>> -> memref<128x64xf32, #tpu.memory_space<vmem_shared>>
      %dma_wait3A_46 = arith.constant 0 : i32
      %dma_wait3A_47 = tpu.memref_slice %arg11[%add3A_38, %dma_wait3A_46] : memref<10240x64xf32, #tpu.memory_space<vmem_shared>> -> memref<128x64xf32, #tpu.memory_space<vmem_shared>>
      tpu.wait_dma2 semaphore(%run_scoped3A : memref<!tpu.dma_semaphore, #tpu.memory_space<semaphore_mem>>) src(%dma_wait3A_47 : memref<128x64xf32, #tpu.memory_space<vmem_shared>>) dst(%arg10 : memref<128x64xf32, #tpu.memory_space<vmem>>)
      tpu.yield
    }) : () -> ()
    "tpu.region"() ({
      %run_scoped3A = tpu.sem_alloc : memref<!tpu.dma_semaphore, #tpu.memory_space<semaphore_mem>>
      %dma_start3A_41 = arith.constant 0 : i32
      %dma_start3A_42 = tpu.memref_slice %arg5[%arg0, %add3A_38, %dma_start3A_41] : memref<2x10240x128xf32, #tpu.memory_space<hbm>> -> memref<1x128x64xf32, #tpu.memory_space<hbm>>
      %dma_start3A_43 = tpu.memref_squeeze %dma_start3A_42 : memref<1x128x64xf32, #tpu.memory_space<hbm>> -> memref<128x64xf32, #tpu.memory_space<hbm>>
      %dma_start3A_44 = arith.constant 0 : i32
      %dma_start3A_45 = tpu.memref_slice %arg5[%arg0, %add3A_38, %dma_start3A_44] : memref<2x10240x128xf32, #tpu.memory_space<hbm>> -> memref<1x128x64xf32, #tpu.memory_space<hbm>>
      %dma_start3A_46 = tpu.memref_squeeze %dma_start3A_45 : memref<1x128x64xf32, #tpu.memory_space<hbm>> -> memref<128x64xf32, #tpu.memory_space<hbm>>
      tpu.enqueue_dma source(%arg10 : memref<128x64xf32, #tpu.memory_space<vmem>>) target(%dma_start3A_46 : memref<128x64xf32, #tpu.memory_space<hbm>>) target_semaphore(%run_scoped3A : memref<!tpu.dma_semaphore, #tpu.memory_space<semaphore_mem>>)
      %dma_wait3A = arith.constant 0 : i32
      %dma_wait3A_47 = tpu.memref_slice %arg5[%arg0, %add3A_38, %dma_wait3A] : memref<2x10240x128xf32, #tpu.memory_space<hbm>> -> memref<1x128x64xf32, #tpu.memory_space<hbm>>
      %dma_wait3A_48 = tpu.memref_squeeze %dma_wait3A_47 : memref<1x128x64xf32, #tpu.memory_space<hbm>> -> memref<128x64xf32, #tpu.memory_space<hbm>>
      %dma_wait3A_49 = arith.constant 0 : i32
      %dma_wait3A_50 = tpu.memref_slice %arg5[%arg0, %add3A_38, %dma_wait3A_49] : memref<2x10240x128xf32, #tpu.memory_space<hbm>> -> memref<1x128x64xf32, #tpu.memory_space<hbm>>
      %dma_wait3A_51 = tpu.memref_squeeze %dma_wait3A_50 : memref<1x128x64xf32, #tpu.memory_space<hbm>> -> memref<128x64xf32, #tpu.memory_space<hbm>>
      tpu.wait_dma2 semaphore(%run_scoped3A : memref<!tpu.dma_semaphore, #tpu.memory_space<semaphore_mem>>) src(%arg10 : memref<128x64xf32, #tpu.memory_space<vmem>>) dst(%dma_wait3A_51 : memref<128x64xf32, #tpu.memory_space<hbm>>)
      tpu.yield
    }) : () -> ()
    %add3A_39 = arith.constant 512 : i32
    %add3A_40 = arith.addi %mul3A_7, %add3A_39 : i32
    "tpu.region"() ({
      %run_scoped3A = tpu.sem_alloc : memref<!tpu.dma_semaphore, #tpu.memory_space<semaphore_mem>>
      %dma_start3A_41 = arith.constant 0 : i32
      %dma_start3A_42 = tpu.memref_slice %arg11[%add3A_40, %dma_start3A_41] : memref<10240x64xf32, #tpu.memory_space<vmem_shared>> -> memref<128x64xf32, #tpu.memory_space<vmem_shared>>
      %dma_start3A_43 = arith.constant 0 : i32
      %dma_start3A_44 = tpu.memref_slice %arg11[%add3A_40, %dma_start3A_43] : memref<10240x64xf32, #tpu.memory_space<vmem_shared>> -> memref<128x64xf32, #tpu.memory_space<vmem_shared>>
      tpu.enqueue_dma source(%dma_start3A_44 : memref<128x64xf32, #tpu.memory_space<vmem_shared>>) target(%arg10 : memref<128x64xf32, #tpu.memory_space<vmem>>) target_semaphore(%run_scoped3A : memref<!tpu.dma_semaphore, #tpu.memory_space<semaphore_mem>>)
      %dma_wait3A = arith.constant 0 : i32
      %dma_wait3A_45 = tpu.memref_slice %arg11[%add3A_40, %dma_wait3A] : memref<10240x64xf32, #tpu.memory_space<vmem_shared>> -> memref<128x64xf32, #tpu.memory_space<vmem_shared>>
      %dma_wait3A_46 = arith.constant 0 : i32
      %dma_wait3A_47 = tpu.memref_slice %arg11[%add3A_40, %dma_wait3A_46] : memref<10240x64xf32, #tpu.memory_space<vmem_shared>> -> memref<128x64xf32, #tpu.memory_space<vmem_shared>>
      tpu.wait_dma2 semaphore(%run_scoped3A : memref<!tpu.dma_semaphore, #tpu.memory_space<semaphore_mem>>) src(%dma_wait3A_47 : memref<128x64xf32, #tpu.memory_space<vmem_shared>>) dst(%arg10 : memref<128x64xf32, #tpu.memory_space<vmem>>)
      tpu.yield
    }) : () -> ()
    "tpu.region"() ({
      %run_scoped3A = tpu.sem_alloc : memref<!tpu.dma_semaphore, #tpu.memory_space<semaphore_mem>>
      %dma_start3A_41 = arith.constant 0 : i32
      %dma_start3A_42 = tpu.memref_slice %arg5[%arg0, %add3A_40, %dma_start3A_41] : memref<2x10240x128xf32, #tpu.memory_space<hbm>> -> memref<1x128x64xf32, #tpu.memory_space<hbm>>
      %dma_start3A_43 = tpu.memref_squeeze %dma_start3A_42 : memref<1x128x64xf32, #tpu.memory_space<hbm>> -> memref<128x64xf32, #tpu.memory_space<hbm>>
      %dma_start3A_44 = arith.constant 0 : i32
      %dma_start3A_45 = tpu.memref_slice %arg5[%arg0, %add3A_40, %dma_start3A_44] : memref<2x10240x128xf32, #tpu.memory_space<hbm>> -> memref<1x128x64xf32, #tpu.memory_space<hbm>>
      %dma_start3A_46 = tpu.memref_squeeze %dma_start3A_45 : memref<1x128x64xf32, #tpu.memory_space<hbm>> -> memref<128x64xf32, #tpu.memory_space<hbm>>
      tpu.enqueue_dma source(%arg10 : memref<128x64xf32, #tpu.memory_space<vmem>>) target(%dma_start3A_46 : memref<128x64xf32, #tpu.memory_space<hbm>>) target_semaphore(%run_scoped3A : memref<!tpu.dma_semaphore, #tpu.memory_space<semaphore_mem>>)
      %dma_wait3A = arith.constant 0 : i32
      %dma_wait3A_47 = tpu.memref_slice %arg5[%arg0, %add3A_40, %dma_wait3A] : memref<2x10240x128xf32, #tpu.memory_space<hbm>> -> memref<1x128x64xf32, #tpu.memory_space<hbm>>
      %dma_wait3A_48 = tpu.memref_squeeze %dma_wait3A_47 : memref<1x128x64xf32, #tpu.memory_space<hbm>> -> memref<128x64xf32, #tpu.memory_space<hbm>>
      %dma_wait3A_49 = arith.constant 0 : i32
      %dma_wait3A_50 = tpu.memref_slice %arg5[%arg0, %add3A_40, %dma_wait3A_49] : memref<2x10240x128xf32, #tpu.memory_space<hbm>> -> memref<1x128x64xf32, #tpu.memory_space<hbm>>
      %dma_wait3A_51 = tpu.memref_squeeze %dma_wait3A_50 : memref<1x128x64xf32, #tpu.memory_space<hbm>> -> memref<128x64xf32, #tpu.memory_space<hbm>>
      tpu.wait_dma2 semaphore(%run_scoped3A : memref<!tpu.dma_semaphore, #tpu.memory_space<semaphore_mem>>) src(%arg10 : memref<128x64xf32, #tpu.memory_space<vmem>>) dst(%dma_wait3A_51 : memref<128x64xf32, #tpu.memory_space<hbm>>)
      tpu.yield
    }) : () -> ()
    return
  }
}

module attributes {stable_mosaic.version = 14 : i64} {
  func.func @_pre_body(%arg0: i32, %arg1: memref<1000x128xf32, #tpu.memory_space<vmem>>, %arg2: memref<128x64xf32, #tpu.memory_space<vmem>>, %arg3: memref<1000x64xf32, #tpu.memory_space<vmem>>) attributes {dimension_semantics = [#tpu.dimension_semantics<arbitrary>], iteration_bounds = array<i64: 10>, scalar_prefetch = 0 : i64, scratch_operands = 0 : i64, tpu.core_type = #tpu.core_type<tc>, window_params = [{transform_indices = @transform_0, window_bounds = array<i64: 1000, 128>}, {pipeline_mode = #tpu.pipeline_mode<synchronous>, transform_indices = @transform_1, window_bounds = array<i64: 128, 64>}, {transform_indices = @transform_2, window_bounds = array<i64: 1000, 64>}]} {
    %get3A = arith.constant 0 : index
    %get3A_0 = arith.constant 0 : index
    %get3A_1 = vector.load %arg1[%get3A, %get3A_0] : memref<1000x128xf32, #tpu.memory_space<vmem>>, vector<1000x128xf32>
    %get3A_2 = arith.constant 0 : index
    %get3A_3 = arith.constant 0 : index
    %get3A_4 = vector.load %arg2[%get3A_2, %get3A_3] : memref<128x64xf32, #tpu.memory_space<vmem>>, vector<128x64xf32>
    %dot_general3A = arith.constant dense<0.000000e+00> : vector<1000x64xf32>
    %dot_general3A_5 = tpu.matmul %get3A_1, %get3A_4, %dot_general3A {dimension_numbers = #tpu.dot_dimension_numbers<[1], [0], [0], [1], [0, 0, 1, 1], [], []>, transpose_lhs_hint = false} : vector<1000x128xf32>, vector<128x64xf32>, vector<1000x64xf32> -> vector<1000x64xf32>
    %swap3A = arith.constant 0 : index
    %swap3A_6 = arith.constant 0 : index
    %swap3A_7 = vector.load %arg3[%swap3A, %swap3A_6] : memref<1000x64xf32, #tpu.memory_space<vmem>>, vector<1000x64xf32>
    tpu.vector_store %arg3[%swap3A, %swap3A_6], %dot_general3A_5 {strides = array<i32>} : memref<1000x64xf32, #tpu.memory_space<vmem>>, vector<1000x64xf32>,
    return
  }
  func.func @transform_0(%arg0: i32) -> (i32, i32) {
    %c0_i32 = arith.constant 0 : i32
    %c0_i32_0 = arith.constant 0 : i32
    return %arg0, %c0_i32 : i32, i32
  }
  func.func @transform_1(%arg0: i32) -> (i32, i32) {
    %c0_i32 = arith.constant 0 : i32
    %c0_i32_0 = arith.constant 0 : i32
    %c0_i32_1 = arith.constant 0 : i32
    return %c0_i32, %c0_i32_0 : i32, i32
  }
  func.func @transform_2(%arg0: i32) -> (i32, i32) {
    %c0_i32 = arith.constant 0 : i32
    %c0_i32_0 = arith.constant 0 : i32
    return %arg0, %c0_i32 : i32, i32
  }
}

module attributes {stable_mosaic.version = 14 : i64} {
  func.func @_post_body(%arg0: i32, %arg1: memref<1000x128xf32, #tpu.memory_space<vmem>>, %arg2: memref<2x1000x128xf32, #tpu.memory_space<vmem>>, %arg3: memref<128x64xf32, #tpu.memory_space<vmem>>, %arg4: memref<1x64xf32, #tpu.memory_space<vmem>>, %arg5: memref<64x128xf32, #tpu.memory_space<vmem>>, %arg6: memref<1x128xf32, #tpu.memory_space<vmem>>, %arg7: memref<1000x128xf32, #tpu.memory_space<vmem>>) attributes {dimension_semantics = [#tpu.dimension_semantics<arbitrary>], iteration_bounds = array<i64: 10>, scalar_prefetch = 0 : i64, scratch_operands = 0 : i64, tpu.core_type = #tpu.core_type<tc>, window_params = [{transform_indices = @transform_0, window_bounds = array<i64: 1000, 128>}, {transform_indices = @transform_1, window_bounds = array<i64: 2, 1000, 128>}, {pipeline_mode = #tpu.pipeline_mode<synchronous>, transform_indices = @transform_2, window_bounds = array<i64: 128, 64>}, {pipeline_mode = #tpu.pipeline_mode<synchronous>, transform_indices = @transform_3, window_bounds = array<i64: 1, 64>}, {pipeline_mode = #tpu.pipeline_mode<synchronous>, transform_indices = @transform_4, window_bounds = array<i64: 64, 128>}, {pipeline_mode = #tpu.pipeline_mode<synchronous>, transform_indices = @transform_5, window_bounds = array<i64: 1, 128>}, {transform_indices = @transform_6, window_bounds = array<i64: 1000, 128>}]} {
    %get3A = arith.constant 0 : index
    %get3A_0 = arith.constant 0 : index
    %get3A_1 = arith.constant 0 : index
    %get3A_2 = vector.load %arg2[%get3A, %get3A_0, %get3A_1] : memref<2x1000x128xf32, #tpu.memory_space<vmem>>, vector<1x1000x64xf32>
    %get3A_3 = vector.shape_cast %get3A_2 : vector<1x1000x64xf32> to vector<1000x64xf32>
    %get3A_4 = arith.constant 1 : index
    %get3A_5 = arith.constant 0 : index
    %get3A_6 = arith.constant 0 : index
    %get3A_7 = vector.load %arg2[%get3A_4, %get3A_5, %get3A_6] : memref<2x1000x128xf32, #tpu.memory_space<vmem>>, vector<1x1000x64xf32>
    %get3A_8 = vector.shape_cast %get3A_7 : vector<1x1000x64xf32> to vector<1000x64xf32>
    %add3A = arith.addf %get3A_3, %get3A_8 : vector<1000x64xf32>
    %get3A_9 = arith.constant 0 : index
    %get3A_10 = arith.constant 0 : index
    %get3A_11 = vector.load %arg1[%get3A_9, %get3A_10] : memref<1000x128xf32, #tpu.memory_space<vmem>>, vector<1000x128xf32>
    %get3A_12 = arith.constant 0 : index
    %get3A_13 = arith.constant 0 : index
    %get3A_14 = vector.load %arg3[%get3A_12, %get3A_13] : memref<128x64xf32, #tpu.memory_space<vmem>>, vector<128x64xf32>
    %dot_general3A = arith.constant dense<0.000000e+00> : vector<1000x64xf32>
    %dot_general3A_15 = tpu.matmul %get3A_11, %get3A_14, %dot_general3A {dimension_numbers = #tpu.dot_dimension_numbers<[1], [0], [0], [1], [0, 0, 1, 1], [], []>, transpose_lhs_hint = false} : vector<1000x128xf32>, vector<128x64xf32>, vector<1000x64xf32> -> vector<1000x64xf32>
    %get3A_16 = arith.constant 0 : index
    %get3A_17 = arith.constant 0 : index
    %get3A_18 = vector.load %arg4[%get3A_16, %get3A_17] : memref<1x64xf32, #tpu.memory_space<vmem>>, vector<1x64xf32>
    %add3A_19 = vector.broadcast %get3A_18 : vector<1x64xf32> to vector<1000x64xf32>
    %add3A_20 = arith.addf %dot_general3A_15, %add3A_19 : vector<1000x64xf32>
    %add3A_21 = arith.addf %add3A_20, %add3A : vector<1000x64xf32>
    %tanh3A = math.tanh %add3A_21 : vector<1000x64xf32>
    %get3A_22 = arith.constant 0 : index
    %get3A_23 = arith.constant 0 : index
    %get3A_24 = vector.load %arg5[%get3A_22, %get3A_23] : memref<64x128xf32, #tpu.memory_space<vmem>>, vector<64x128xf32>
    %dot_general3A_25 = arith.constant dense<0.000000e+00> : vector<1000x128xf32>
    %dot_general3A_26 = tpu.matmul %tanh3A, %get3A_24, %dot_general3A_25 {dimension_numbers = #tpu.dot_dimension_numbers<[1], [0], [0], [1], [0, 0, 1, 1], [], []>, transpose_lhs_hint = false} : vector<1000x64xf32>, vector<64x128xf32>, vector<1000x128xf32> -> vector<1000x128xf32>
    %get3A_27 = arith.constant 0 : index
    %get3A_28 = arith.constant 0 : index
    %get3A_29 = vector.load %arg6[%get3A_27, %get3A_28] : memref<1x128xf32, #tpu.memory_space<vmem>>, vector<1x128xf32>
    %add3A_30 = vector.broadcast %get3A_29 : vector<1x128xf32> to vector<1000x128xf32>
    %add3A_31 = arith.addf %dot_general3A_26, %add3A_30 : vector<1000x128xf32>
    %swap3A = arith.constant 0 : index
    %swap3A_32 = arith.constant 0 : index
    %swap3A_33 = vector.load %arg7[%swap3A, %swap3A_32] : memref<1000x128xf32, #tpu.memory_space<vmem>>, vector<1000x128xf32>
    tpu.vector_store %arg7[%swap3A, %swap3A_32], %add3A_31 {strides = array<i32>} : memref<1000x128xf32, #tpu.memory_space<vmem>>, vector<1000x128xf32>,
    return
  }
  func.func @transform_0(%arg0: i32) -> (i32, i32) {
    %c0_i32 = arith.constant 0 : i32
    %c0_i32_0 = arith.constant 0 : i32
    return %arg0, %c0_i32 : i32, i32
  }
  func.func @transform_1(%arg0: i32) -> (i32, i32, i32) {
    %c0_i32 = arith.constant 0 : i32
    %c0_i32_0 = arith.constant 0 : i32
    %c0_i32_1 = arith.constant 0 : i32
    return %c0_i32, %arg0, %c0_i32_0 : i32, i32, i32
  }
  func.func @transform_2(%arg0: i32) -> (i32, i32) {
    %c0_i32 = arith.constant 0 : i32
    %c0_i32_0 = arith.constant 0 : i32
    %c0_i32_1 = arith.constant 0 : i32
    return %c0_i32, %c0_i32_0 : i32, i32
  }
  func.func @transform_3(%arg0: i32) -> (i32, i32) {
    %c0_i32 = arith.constant 0 : i32
    %c0_i32_0 = arith.constant 0 : i32
    %c0_i32_1 = arith.constant 0 : i32
    return %c0_i32, %c0_i32_0 : i32, i32
  }
  func.func @transform_4(%arg0: i32) -> (i32, i32) {
    %c0_i32 = arith.constant 0 : i32
    %c0_i32_0 = arith.constant 0 : i32
    %c0_i32_1 = arith.constant 0 : i32
    return %c0_i32, %c0_i32_0 : i32, i32
  }
  func.func @transform_5(%arg0: i32) -> (i32, i32) {
    %c0_i32 = arith.constant 0 : i32
    %c0_i32_0 = arith.constant 0 : i32
    %c0_i32_1 = arith.constant 0 : i32
    return %c0_i32, %c0_i32_0 : i32, i32
  }
  func.func @transform_6(%arg0: i32) -> (i32, i32) {
    %c0_i32 = arith.constant 0 : i32
    %c0_i32_0 = arith.constant 0 : i32
    return %arg0, %c0_i32 : i32, i32
  }
}

</mosaic_0001>

<sc_bundles>
// kernel: kernel.5.cloned.1.call-start
scs
__scs_entry_jumppad:
0x0: {  	(pc) =	sbr.rel $0x88, $3  }
0x1: {  	(tag) =	ssettag $0x0;
	lr =	simm.s32 $0x1  }
0x2: {  	[smem:$0x3F9A] =	sst lr;
	_ =	strace $0xD0000000  }
0x3: {  	_ = 	snop  }
0x4: {  	_ = 	snop  }
0x5: {  	_ = 	snop  }
0x6: {  	_ = 	snop  }
0x7: {  	_ = 	snop  }
__scs_overlays_trampoline_lowered:
0x8: {  	[smem:$0x3FA9] =	sst s0  }
0x9: {  	[smem:$0x3FAA] =	sst s1  }
0xa: {  	[smem:$0x3FAB] =	sst s2  }
0xb: {  	[smem:$0x3FAC] =	sst s3  }
0xc: {  	[smem:$0x3FAD] =	sst s4  }
0xd: {  	[smem:$0x3FAE] =	sst s5  }
0xe: {  	[smem:$0x3FAF] =	sst s6  }
0xf: {  	[smem:$0x3FB0] =	sst s7  }
0x10: {  	[smem:$0x3FB1] =	sst s8  }
0x11: {  	[smem:$0x3FB2] =	sst s9;
	s0 =	simm.s32 @!p0 $0x0  }
0x12: {  	s1 =	sld [smem:$0x3F98];
	s0 =	simm.s32 @p0 $0x1  }
0x13: {  	[smem:$0x3FB3] =	sst s0;
	s0 =	simm.s32 @!p1 $0x0  }
0x14: {  	s2 =	sld [smem:$0x3F97];
	s0 =	simm.s32 @p1 $0x1  }
0x15: {  	[smem:$0x3FB4] =	sst s0;
	s0 =	simm.s32 @!p2 $0x0  }
0x16: {  	s3 =	sld [smem:$0x3FDB];
	s0 =	simm.s32 @p2 $0x1  }
0x17: {  	s4 =	simm.s32 $0x1BF5;
	[smem:$0x3FB6] =	sst s0  }
0x18: {  	s0 =	sld [smem:$0x3F99];
	_ =	swait.ge [sflag:s4], $0x0  }
0x19: {  	s7 =	sld [smem:$0x3F9A]  }
0x1a: {  	s8 =	sadd.s32 $0xFFFFE003, lr  }
0x1b: {  	s9 =	sadd.s32 $0xFFFFFEF7, lr;
	s5 =	simm.s32 $0xFFFFFFFF;
	p2 =	slt.u32 s8, $0xFFFFF086  }
0x1c: {  	p1 =	slt.u32 s9, $0xF7A;
	s5 =	simm.s32 @!p2 $0x0  }
0x1d: {  	s5 =	simm.s32 @p1 $0x1;
	p0 =	seq.s32 s7, s2  }
0x1e: {  	s7 =	smul.u32 @!p0 $0xF7A, s2;
	p2 =	seq.s32 @!p0 s5, $0x0  }
0x1f: {  	s9 =	smul.u32 $0xF7A, s1;
	s8 =	simm.s32 @!p0 $0x1BF5;
	p2 =	por !p2, p0  }
0x20: {  	[sflag:s8] =	ssyncset.s32 @!p0 $0xFFFFF086;
	s6 =	sadd.s32 @!p0 s3, s7;
	s7 =	simm.s32 @!p0 $0x108  }
0x21: {  	s3 =	sadd.s32 s3, s9;
	s6 =	sadd.s32 @!p0 $0x88, s6;
	s7 =	simm.s32 @p2 $0x1082  }
0x22: {  	[simem:s7], [sflag:s8] =	dma.local @!p0 [hbm:s6], $0xF7A  }
0x23: {  	s9 =	sor.u32 $0xD0000000, s2;
	s6 =	simm.s32 $0x108;
	_ =	swait.ge @!p0 [sflag:s8], $0x0  }
0x24: {  	s3 =	sadd.s32 $0x88, s3;
	s6 =	simm.s32 @!p1 $0x1082;
	[sflag:s4] =	ssyncset.s32 $0xFFFFF086  }
0x25: {  	[simem:s6], [sflag:s4] =	dma.local [hbm:s3], $0xF7A  }
0x26: {  	[smem:$0x3F9A] =	sst s1;
	(tag) =	ssettag s2;
	_ =	strace s9  }
0x27: {  	s1 =	sld [smem:$0x3FAA]  }
0x28: {  	s2 =	sld [smem:$0x3FAB]  }
0x29: {  	s4 =	sld [smem:$0x3FAD]  }
0x2a: {  	p0 =	seq.s32 s5, $0x0;
	s5 =	sld [smem:$0x3FAE]  }
0x2b: {  	s6 =	sld [smem:$0x3FAF]  }
0x2c: {  	s7 =	sld [smem:$0x3FB0]  }
0x2d: {  	s3 =	simm.s32 $0x108;
	s8 =	sld [smem:$0x3FB1]  }
0x2e: {  	s3 =	simm.s32 @!p0 $0x1082;
	s9 =	sld [smem:$0x3FB2]  }
0x2f: {  	lr =	sadd.s32 s0, s3;
	s0 =	sld [smem:$0x3FA9]  }
0x30: {  	s3 =	sld [smem:$0x3FAC]  }
0x31: {  	[smem:$0x3FB5] =	sst s10  }
0x32: {  	s10 =	sld [smem:$0x3FB3];
	_ =	sdelay $0x3  }
0x33: {  	p0 =	seq.s32 s10, $0x1;
	s10 =	sld [smem:$0x3FB5];
	_ =	sdelay $0x3  }
0x34: {  	[smem:$0x3FB5] =	sst s10  }
0x35: {  	s10 =	sld [smem:$0x3FB4];
	_ =	sdelay $0x3  }
0x36: {  	p1 =	seq.s32 s10, $0x1;
	s10 =	sld [smem:$0x3FB5];
	_ =	sdelay $0x3  }
0x37: {  	[smem:$0x3FB5] =	sst s10  }
0x38: {  	s10 =	sld [smem:$0x3FB6]  }
0x39: {  	_ = 	snop;
	(pc) =	sbr.ind lr, $3  }
0x3a: {  	_ = 	snop  }
0x3b: {  	_ = 	snop  }
0x3c: {  	p2 =	seq.s32 s10, $0x1;
	s10 =	sld [smem:$0x3FB5]  }
0x3d: {  	_ =	shalt  }
0x3e: {  	_ =	shalt  }
0x3f: {  	_ =	shalt  }
0x40: {  	_ =	shalt  }
0x41: {  	_ =	shalt  }
0x42: {  	_ =	shalt  }
0x43: {  	_ =	shalt  }
0x44: {  	_ =	shalt  }
0x45: {  	_ =	shalt  }
0x46: {  	_ =	shalt  }
0x47: {  	_ =	shalt  }
0x48: {  	_ =	shalt  }
0x49: {  	_ =	shalt  }
0x4a: {  	_ =	shalt  }
0x4b: {  	_ =	shalt  }
0x4c: {  	_ =	shalt  }
0x4d: {  	_ =	shalt  }
0x4e: {  	_ =	shalt  }
0x4f: {  	_ =	shalt  }
0x50: {  	_ =	shalt  }
0x51: {  	_ =	shalt  }
0x52: {  	_ =	shalt  }
0x53: {  	_ =	shalt  }
0x54: {  	_ =	shalt  }
0x55: {  	_ =	shalt  }
0x56: {  	_ =	shalt  }
0x57: {  	_ =	shalt  }
0x58: {  	_ =	shalt  }
0x59: {  	_ =	shalt  }
0x5a: {  	_ =	shalt  }
0x5b: {  	_ =	shalt  }
0x5c: {  	_ =	shalt  }
0x5d: {  	_ =	shalt  }
0x5e: {  	_ =	shalt  }
0x5f: {  	_ =	shalt  }
0x60: {  	_ =	shalt  }
0x61: {  	_ =	shalt  }
0x62: {  	_ =	shalt  }
0x63: {  	_ =	shalt  }
0x64: {  	_ =	shalt  }
0x65: {  	_ =	shalt  }
0x66: {  	_ =	shalt  }
0x67: {  	_ =	shalt  }
0x68: {  	_ =	shalt  }
0x69: {  	_ =	shalt  }
0x6a: {  	_ =	shalt  }
0x6b: {  	_ =	shalt  }
0x6c: {  	_ =	shalt  }
0x6d: {  	_ =	shalt  }
0x6e: {  	_ =	shalt  }
0x6f: {  	_ =	shalt  }
0x70: {  	_ =	shalt  }
0x71: {  	_ =	shalt  }
0x72: {  	_ =	shalt  }
0x73: {  	_ =	shalt  }
0x74: {  	_ =	shalt  }
0x75: {  	_ =	shalt  }
0x76: {  	_ =	shalt  }
0x77: {  	_ =	shalt  }
0x78: {  	_ =	shalt  }
0x79: {  	_ =	shalt  }
0x7a: {  	_ =	shalt  }
0x7b: {  	_ =	shalt  }
0x7c: {  	_ =	shalt  }
0x7d: {  	_ =	shalt  }
0x7e: {  	_ =	shalt  }
0x7f: {  	_ =	shalt  }
0x80: {  	_ =	shalt  }
0x81: {  	_ =	shalt  }
0x82: {  	_ =	shalt  }
0x83: {  	_ =	shalt  }
0x84: {  	_ =	shalt  }
0x85: {  	_ =	shalt  }
0x86: {  	_ =	shalt  }
0x87: {  	_ =	shalt  }
.Lfunc_end0:
.L_simem_size_0:
called_computation_lowered:
.L_overlay_start_0:
0x88: {  	s2 =	sld [smem:$0x3FD9]  }
0x89: {  	s3 =	sld [smem:$0x3FFE];
	_ =	sdelay $0x1  }
0x8a: {  	s1 =	srdreg.scid  }
0x8b: {  	s0 =	sand.u32 $0x1, s1  }
0x8c: {  	s17 =	sshll.u32 s0, $0xA;
	s2 =	sadd.s32 s3, s2  }
0x8d: {  	s2 =	sadd.s32 s2, s17  }
0x8e: {  	[smem:$0x3FC1] =	sst s2  }
0x8f: {  	_ = 	snop  }
0x90: {  	s2 =	sld [smem:$0x3FD0];
	(tm) =	ssettm $0x1  }
0x91: {  	s18 =	sld [smem:$0x3FFB];
	_ =	sdelay $0x3  }
0x92: {  	_ =	strace s18  }
0x93: {  	s3 =	sld [smem:$0x3FFC];
	_ =	sdelay $0x3  }
0x94: {  	_ =	strace s3  }
0x95: {  	s3 =	sld [smem:$0x3FFD];
	_ =	sdelay $0x3  }
0x96: {  	_ =	strace s3  }
0x97: {  	_ =	strace $0x8FFFFFFF  }
0x98: {  	s19 =	sld [smem:$0x3FDB];
	_ =	sdelay $0x1  }
0x99: {  	s4 =	simm.s32 $_scs_section_size  }
0x9a: {  	s5 =	simm.s32 $_size__tile_overlayer_lowered;
	s6 =	simm.s32 $_tile_overlayer_lowered  }
0x9b: {  	s22 =	simm.s32 $0x1BFF;
	s21 =	sshll.u32 s6, $0x1;
	s3 =	sadd.s32 s4, s19  }
0x9c: {  	s7 =	simm.s32 $0x0;
	s20 =	sshll.u32 s5, $0x1;
	s5 =	sadd.s32 s21, s3  }
0x9d: {  	[timem:s7], [sflag:s22] =	dma.local [hbm:s5], s20  }
0x9e: {  	_ =	swait.ge [sflag:s22], s20  }
0x9f: {  	s4 =	ssub.s32 $0x0, s20;
	[sflag:s22] =	ssyncset.done $0x0  }
0xa0: {  	[sflag:s22] =	ssyncadd.s32 s4;
	_ =	sdelay $0x1  }
0xa1: {  	s23 =	simm.s32 $0x1B8B  }
0xa2: {  	_ =	swait.ge [sflag:s23], $0x1  }
0xa3: {  	[sflag:s23] =	ssyncset.done $0x0  }
0xa4: {  	s25 =	simm.s32 $0x1B8E;
	s24 =	sld [smem:$0x3FFE];
	[sflag:s23] =	ssyncadd.s32 $0xFFFFFFFF  }
0xa5: {  	s26 =	simm.s32 $execute0_lowered;
	[smem:$0x3FD2] =	sst s25  }
0xa6: {  	s5 =	sshll.u32 s26, $0x1;
	_ =	strace $0x80000046;
	[dreg:$0x1] =	wrdreg $0xFFFFFFFF  }
0xa7: {  	s28 =	simm.s32 $_size_execute0_lowered;
	s3 =	sadd.s32 s3, s5;
	[dreg:$0x0] =	wrdreg $0x0  }
0xa8: {  	s5 =	sshll.u32 s28, $0x1;
	[dreg:$0x2] =	wrdreg s3  }
0xa9: {  	[dreg:$0x3] =	wrdreg s5  }
0xaa: {  	[dreg:$0x4] =	wrdreg $0xC0  }
0xab: {  	_ =	task [dreg:s7], $0x5FFFF  }
0xac: {  	[dreg:$0x1] =	wrdreg $0xFFFFFFFF  }
0xad: {  	[dreg:$0x0] =	wrdreg $0x60  }
0xae: {  	[dreg:$0x2] =	wrdreg s2  }
0xaf: {  	[dreg:$0x3] =	wrdreg s24  }
0xb0: {  	[dreg:$0x4] =	wrdreg $0xB0000  }
0xb1: {  	[dreg:$0x5] =	wrdreg $0x9  }
0xb2: {  	_ =	task.clear_ibuf [dreg:s7], $0x6FFFF;
	_ =	strace $0x90000046  }
0xb3: {  	s29 =	simm.s32 $0x9;
	_ =	strace $0x80000048  }
0xb4: {  	_ =	swait.ge [sflag:s29], $0x1  }
0xb5: {  	[sflag:s29] =	ssyncadd.s32 $0xFFFFFFFF  }
0xb6: {  	_ =	strace $0x90000048  }
0xb7: {  	_ =	sfence  }
0xb8: {  	s30 =	sld [smem:$0x0];
	_ =	sdelay $0x2  }
0xb9: {  	s31 =	sshll.u32 s1, $0xD;
	s1 =	sshrl.u32 s1, $0x2  }
0xba: {  	s3 =	sand.u32 $0x4000, s31;
	s1 =	sadd.s32 s1, s30  }
0xbb: {  	s0 =	sor.u32 s3, s0;
	s1 =	sshll.u32 s1, $0x11  }
0xbc: {  	s0 =	sor.u32 s1, s0  }
0xbd: {  	s0 =	sadd.s32 $0x8F2B, s0  }
0xbe: {  	[sflag:s0] =	ssyncadd.remote.s32 $0x1  }
0xbf: {  	_ =	sfence.sel $0xFFFF  }
0xc0: {  	[dreg:$0x0] =	wrdreg $0xFFFFFFFF;
	(pc) =	sbr.abs _section_cstart, $3  }
0xc1: {  	[dreg:$0x1] =	wrdreg $0xFFFFFFFF  }
0xc2: {  	_ =	task.clear_ibuf [dreg:s7], $0x2FFFF;
	_ =	strace $0x9FFFFFFF  }
0xc3: {  	(tm) =	ssettm $0x7FFFFFFF  }
tec
execute0_lowered:
.L_overlay_start_1:
0x0: {  	(tag) =	ssettag $0x1  }
0x1: {  	s0 =	rddreg [dreg:$0x0]  }
0x2: {  	s5 =	rddreg [dreg:$0x1]  }
0x3: {  	s1 =	srdreg.scid;
	s3 =	rddreg [dreg:$0x2]  }
0x4: {  	s2 =	stileid.u32;
	s4 =	simm.s32 $0x0;
	s19 =	simm.s32 $0x3  }
0x5: {  	s21 =	simm.s32 $0x80;
	s28 =	simm.s32 $0x4F00;
	s29 =	simm.s32 $0x4F80  }
0x6: {  	s30 =	simm.s32 $0x40;
	s1 =	sand.u32 $0x1, s1;
	s8 =	smul.u32 $0x280, s2  }
0x7: {  	[smem:$0x7FF] =	sst s4;
	s16 =	sadd.s32 $0x15C00, s5;
	s7 =	smul.u32 $0x28000, s2  }
0x8: {  	s12 =	smul.u32 $0x14000, s2;
	s6 =	sshll.u32 s1, $0x4;
	_ =	strace $0x80000047  }
0x9: {  	s22 =	ssub.s32 $0x2, s1;
	s1 =	smul.u32 $0x140000, s1;
	s6 =	sor.u32 s2, s6  }
0xa: {  	s23 =	sshrl.u32 s22, $0x1;
	s10 =	sadd.s32 $0x80, s8;
	s14 =	sadd.s32 $0x100, s8  }
0xb: {  	s24 =	sshrl.u32 s7, $0x2;
	s15 =	sadd.s32 $0x180, s8;
	s18 =	sadd.s32 $0x200, s8  }
0xc: {  	s6 =	smul.u32 $0x500, s6;
	s17 =	ssub.s32 s22, s23;
	s25 =	sshll.u32 s10, $0x6  }
0xd: {  	s26 =	sshll.u32 s14, $0x6;
	s31 =	sshll.u32 s15, $0x6;
	s9 =	sshll.u32 s18, $0x6  }
0xe: {  	s13 =	sshll.u32 s10, $0x7;
	s12 =	sadd.s32 s12, s1;
	s14 =	sshll.u32 s14, $0x7  }
0xf: {  	s15 =	sshll.u32 s15, $0x7;
	s18 =	sshll.u32 s18, $0x7;
	s22 =	simm.s32 $0x5000  }
0x10: {  	s23 =	simm.s32 $0x7000;
	s7 =	sadd.s32 s26, s3;
	s8 =	sadd.s32 s31, s3  }
0x11: {  	s9 =	sadd.s32 s9, s3;
	s13 =	sadd.s32 s1, s13;
	s12 =	sshrl.u32 s12, $0x3  }
0x12: {  	s14 =	sadd.s32 s1, s14;
	s15 =	sadd.s32 s1, s15;
	s1 =	sadd.s32 s1, s18  }
0x13: {  	s17 =	smax.u32 s17, $0x1;
	s18 =	simm.s32 $0x9000;
	s11 =	sadd.s32 s6, s5  }
0x14: {  	s5 =	sadd.s32 s24, s3;
	s6 =	sadd.s32 s25, s3;
	s13 =	sshrl.u32 s13, $0x3  }
0x15: {  	s12 =	sadd.s32 s16, s12;
	s14 =	sshrl.u32 s14, $0x3;
	s15 =	sshrl.u32 s15, $0x3  }
0x16: {  	s1 =	sshrl.u32 s1, $0x3;
	s24 =	simm.s32 $0x1;
	s25 =	simm.s32 $0x2  }
0x17: {  	s10 =	sadd.s32 $0xBC00, s11;
	s11 =	sadd.s32 $0x1C00, s11;
	s13 =	sadd.s32 s16, s13  }
0x18: {  	v0 =	vimm.f32 $0.0e+00;
	s14 =	sadd.s32 s16, s14;
	s15 =	sadd.s32 s16, s15;
	s16 =	sadd.s32 s16, s1  }
.LBB2_1:
0x19: {  	s1 =	simm.s32 $0x100;
	s31 =	simm.s32 $0x0  }
.LBB2_2:
0x1a: {  	p0 =	sne.s32 s1, $0x7F00;
	[tilespmem:s31+$0x9030] =	vst v0;
	s2 =	smov.u32 s1;
	s1 =	sadd.s32 $0x100, s1  }
.Ltmp0:
0x1b: {  	[tilespmem:s31+$0x9020] =	vst v0;
	(pc) =	sbr.rel @p0 .LBB2_2-.Ltmp0, $3  }
0x1c: {  	[tilespmem:s31+$0x9000] =	vst v0  }
0x1d: {  	[tilespmem:s31+$0x9010] =	vst v0;
	_ =	sdelay $0x1  }
0x1e: {  	s31 =	sshra.s32 s2, $0x2  }
0x1f: {  	[tilespmem:s31+$0x9030] =	vst v0  }
0x20: {  	[tilespmem:s31+$0x9020] =	vst v0  }
0x21: {  	[tilespmem:s31+$0x9000] =	vst v0  }
0x22: {  	[tilespmem:s31+$0x9010] =	vst v0  }
0x23: {  	[spmem:s5] =	stream.linear.scatter [tilespmem:s18], [sflag:$0x3], $0x2000, $0x38;
	[tilespmem:$0x15000] =	vst v63  }
0x24: {  	_ =	swait.ge [sflag:s19], $0x2000  }
0x25: {  	[sflag:s19] =	ssyncset.done $0x0  }
0x26: {  	[sflag:s19] =	ssyncadd.s32 $0xFFFFE000  }
0x27: {  	[spmem:s6] =	stream.linear.scatter [tilespmem:s18], [sflag:$0x3], $0x2000, $0x38;
	[tilespmem:$0x15000] =	vst v63  }
0x28: {  	_ =	swait.ge [sflag:s19], $0x2000  }
0x29: {  	[sflag:s19] =	ssyncset.done $0x0  }
0x2a: {  	[sflag:s19] =	ssyncadd.s32 $0xFFFFE000  }
0x2b: {  	[spmem:s7] =	stream.linear.scatter [tilespmem:s18], [sflag:$0x3], $0x2000, $0x38;
	[tilespmem:$0x15000] =	vst v63  }
0x2c: {  	_ =	swait.ge [sflag:s19], $0x2000  }
0x2d: {  	[sflag:s19] =	ssyncset.done $0x0  }
0x2e: {  	[sflag:s19] =	ssyncadd.s32 $0xFFFFE000  }
0x2f: {  	[spmem:s8] =	stream.linear.scatter [tilespmem:s18], [sflag:$0x3], $0x2000, $0x38;
	[tilespmem:$0x15000] =	vst v63  }
0x30: {  	_ =	swait.ge [sflag:s19], $0x2000  }
0x31: {  	[sflag:s19] =	ssyncset.done $0x0  }
0x32: {  	[sflag:s19] =	ssyncadd.s32 $0xFFFFE000  }
0x33: {  	[spmem:s9] =	stream.linear.scatter [tilespmem:s18], [sflag:$0x3], $0x2000, $0x38;
	[tilespmem:$0x15000] =	vst v63  }
0x34: {  	_ =	swait.ge [sflag:s19], $0x2000  }
0x35: {  	[sflag:s19] =	ssyncset.done $0x0  }
0x36: {  	s1 =	simm.s32 $0x0;
	[sflag:s19] =	ssyncadd.s32 $0xFFFFE000  }
0x37: {  	[tilespmem:s1], [sflag:$0x3] =	stream.linear.gather [hbm4b:s10+s1], $0x2800, $0x38;
	[tilespmem:$0x15000] =	vst v63  }
0x38: {  	_ =	swait.ge [sflag:s19], $0x2800  }
0x39: {  	[sflag:s19] =	ssyncset.done $0x0  }
0x3a: {  	s2 =	simm.s32 $0x2800;
	[sflag:s19] =	ssyncadd.s32 $0xFFFFD800  }
0x3b: {  	[tilespmem:s2], [sflag:$0x3] =	stream.linear.gather [hbm4b:s11+s1], $0x2800, $0x38;
	[tilespmem:$0x15000] =	vst v63  }
0x3c: {  	_ =	swait.ge [sflag:s19], $0x2800  }
0x3d: {  	[sflag:s19] =	ssyncset.done $0x0  }
0x3e: {  	[sflag:s19] =	ssyncadd.s32 $0xFFFFD800  }
0x3f: {  	[bflag:$0x0] =	sbarrier.arrive $0xFFFF  }
0x40: {  	[tilespmem:s22], [sflag:$0x1] =	stream.indirect.gather [hbm4b:s0+s21], $0x40, s1, s21, $0xb8;
	[tilespmem:$0x15000] =	vst v63  }
0x41: {  	s26 =	simm.s32 $0x80  }
0x42: {  	[tilespmem:s23], [sflag:$0x2] =	stream.indirect.gather [hbm4b:s0+s21], $0x40, s26, s21, $0xb8;
	[tilespmem:$0x15000] =	vst v63  }
0x43: {  	_ =	swait.ge [sflag:s24], $0x2000  }
0x44: {  	[sflag:s24] =	ssyncset.done $0x0  }
0x45: {  	s2 =	simm.s32 $0x2800;
	[sflag:s24] =	ssyncadd.s32 $0xFFFFE000  }
0x46: {  	[spmem:s3] =	stream.indirect.scatter.add.f32 [tilespmem:s22], [sflag:$0x3], $0x40, s2, s21, $0xb8;
	[tilespmem:$0x15000] =	vst v63  }
0x47: {  	_ =	swait.ge [sflag:s19], $0x2000  }
0x48: {  	[sflag:s19] =	ssyncset.done $0x0  }
0x49: {  	s20 =	simm.s32 $0x100;
	[sflag:s19] =	ssyncadd.s32 $0xFFFFE000  }
0x4a: {  	[tilespmem:s22], [sflag:$0x1] =	stream.indirect.gather [hbm4b:s0+s21], $0x40, s20, s21, $0xb8;
	[tilespmem:$0x15000] =	vst v63  }
0x4b: {  	_ =	swait.ge [sflag:s25], $0x2000  }
0x4c: {  	[sflag:s25] =	ssyncset.done $0x0  }
0x4d: {  	s26 =	simm.s32 $0x2880;
	[sflag:s25] =	ssyncadd.s32 $0xFFFFE000  }
0x4e: {  	[spmem:s3] =	stream.indirect.scatter.add.f32 [tilespmem:s23], [sflag:$0x3], $0x40, s26, s21, $0xb8;
	[tilespmem:$0x15000] =	vst v63  }
0x4f: {  	_ =	swait.ge [sflag:s19], $0x2000  }
0x50: {  	s31 =	simm.s32 $0x100;
	s1 =	simm.s32 $0x800;
	[sflag:s19] =	ssyncset.done $0x0  }
.LBB2_4:
0x51: {  	s2 =	sadd.s32 $0x80, s31  }
0x52: {  	[sflag:s19] =	ssyncadd.s32 $0xFFFFE000;
	s20 =	smov.u32 s1;
	s26 =	sadd.s32 $0x400, s1  }
0x53: {  	[tilespmem:s23], [sflag:$0x2] =	stream.indirect.gather [hbm4b:s0+s21], $0x40, s2, s21, $0xb8;
	[tilespmem:$0x15000] =	vst v63  }
0x54: {  	p0 =	sne.s32 s1, $0x9800;
	_ =	swait.ge [sflag:s24], $0x2000  }
0x55: {  	[sflag:s24] =	ssyncset.done $0x0  }
0x56: {  	s1 =	sadd.s32 $0x2800, s31;
	[sflag:s24] =	ssyncadd.s32 $0xFFFFE000  }
0x57: {  	[spmem:s3] =	stream.indirect.scatter.add.f32 [tilespmem:s22], [sflag:$0x3], $0x40, s1, s21, $0xb8;
	[tilespmem:$0x15000] =	vst v63  }
0x58: {  	_ =	swait.ge [sflag:s19], $0x2000  }
0x59: {  	[sflag:s19] =	ssyncset.done $0x0  }
0x5a: {  	s1 =	sadd.s32 $0x100, s31;
	[sflag:s19] =	ssyncadd.s32 $0xFFFFE000  }
0x5b: {  	[tilespmem:s22], [sflag:$0x1] =	stream.indirect.gather [hbm4b:s0+s21], $0x40, s1, s21, $0xb8;
	[tilespmem:$0x15000] =	vst v63  }
0x5c: {  	_ =	swait.ge [sflag:s25], $0x2000  }
.Ltmp1:
0x5d: {  	[sflag:s25] =	ssyncset.done $0x0;
	(pc) =	sbr.rel @p0 .LBB2_4-.Ltmp1, $4  }
0x5e: {  	s1 =	sadd.s32 $0x2880, s31;
	[sflag:s25] =	ssyncadd.s32 $0xFFFFE000  }
0x5f: {  	[spmem:s3] =	stream.indirect.scatter.add.f32 [tilespmem:s23], [sflag:$0x3], $0x40, s1, s21, $0xb8;
	[tilespmem:$0x15000] =	vst v63  }
0x60: {  	_ =	swait.ge [sflag:s19], $0x2000  }
0x61: {  	s31 =	sshra.s32 s20, $0x2;
	s1 =	smov.u32 s26;
	[sflag:s19] =	ssyncset.done $0x0  }
0x62: {  	s1 =	sadd.s32 $0x80, s31;
	[sflag:s19] =	ssyncadd.s32 $0xFFFFE000  }
0x63: {  	[tilespmem:s23], [sflag:$0x2] =	stream.indirect.gather [hbm4b:s0+s21], $0x40, s1, s21, $0xb8;
	[tilespmem:$0x15000] =	vst v63  }
0x64: {  	_ =	swait.ge [sflag:s24], $0x2000  }
0x65: {  	[sflag:s24] =	ssyncset.done $0x0  }
0x66: {  	s2 =	sadd.s32 $0x2800, s31;
	[sflag:s24] =	ssyncadd.s32 $0xFFFFE000  }
0x67: {  	[spmem:s3] =	stream.indirect.scatter.add.f32 [tilespmem:s22], [sflag:$0x3], $0x40, s2, s21, $0xb8;
	[tilespmem:$0x15000] =	vst v63  }
0x68: {  	_ =	swait.ge [sflag:s19], $0x2000  }
0x69: {  	[sflag:s19] =	ssyncset.done $0x0  }
0x6a: {  	s20 =	sadd.s32 $0x100, s31;
	[sflag:s19] =	ssyncadd.s32 $0xFFFFE000  }
0x6b: {  	[tilespmem:s22], [sflag:$0x1] =	stream.indirect.gather [hbm4b:s0+s21], $0x40, s20, s21, $0xb8;
	[tilespmem:$0x15000] =	vst v63  }
0x6c: {  	_ =	swait.ge [sflag:s25], $0x2000  }
0x6d: {  	[sflag:s25] =	ssyncset.done $0x0  }
0x6e: {  	s26 =	sadd.s32 $0x2880, s31;
	[sflag:s25] =	ssyncadd.s32 $0xFFFFE000  }
0x6f: {  	[spmem:s3] =	stream.indirect.scatter.add.f32 [tilespmem:s23], [sflag:$0x3], $0x40, s26, s21, $0xb8;
	[tilespmem:$0x15000] =	vst v63  }
0x70: {  	_ =	swait.ge [sflag:s19], $0x2000  }
0x71: {  	[sflag:s19] =	ssyncset.done $0x0  }
0x72: {  	s31 =	simm.s32 $0x2780;
	[sflag:s19] =	ssyncadd.s32 $0xFFFFE000  }
0x73: {  	[tilespmem:s23], [sflag:$0x2] =	stream.indirect.gather [hbm4b:s0+s21], $0x40, s31, s21, $0xb8;
	[tilespmem:$0x15000] =	vst v63  }
0x74: {  	_ =	swait.ge [sflag:s24], $0x2000  }
0x75: {  	[sflag:s24] =	ssyncset.done $0x0  }
0x76: {  	[sflag:s24] =	ssyncadd.s32 $0xFFFFE000  }
0x77: {  	[spmem:s3] =	stream.indirect.scatter.add.f32 [tilespmem:s22], [sflag:$0x3], $0x40, s28, s21, $0xb8;
	[tilespmem:$0x15000] =	vst v63  }
0x78: {  	_ =	swait.ge [sflag:s19], $0x2000  }
0x79: {  	[sflag:s19] =	ssyncset.done $0x0  }
0x7a: {  	[sflag:s19] =	ssyncadd.s32 $0xFFFFE000  }
0x7b: {  	_ =	swait.ge [sflag:s25], $0x2000  }
0x7c: {  	[sflag:s25] =	ssyncset.done $0x0  }
0x7d: {  	[sflag:s25] =	ssyncadd.s32 $0xFFFFE000  }
0x7e: {  	[spmem:s3] =	stream.indirect.scatter.add.f32 [tilespmem:s23], [sflag:$0x3], $0x40, s29, s21, $0xb8;
	[tilespmem:$0x15000] =	vst v63  }
0x7f: {  	_ =	swait.ge [sflag:s19], $0x2000  }
0x80: {  	[sflag:s19] =	ssyncset.done $0x0  }
0x81: {  	[sflag:s19] =	ssyncadd.s32 $0xFFFFE000  }
0x82: {  	[bflag:$0x0] =	sbarrier.arrive $0xFFFF  }
0x83: {  	[tilespmem:s18], [sflag:$0x3] =	stream.linear.gather [spmem:s5], $0x2000, $0x38;
	[tilespmem:$0x15000] =	vst v63  }
0x84: {  	_ =	swait.ge [sflag:s19], $0x2000  }
0x85: {  	[sflag:s19] =	ssyncset.done $0x0  }
0x86: {  	[sflag:s19] =	ssyncadd.s32 $0xFFFFE000  }
0x87: {  	[hbm4b:s12+s30] =	stream.strided.scatter [tilespmem:s18], [sflag:$0x3], $0x2000, s21, s30, $0x38;
	[tilespmem:$0x15000] =	vst v63  }
0x88: {  	_ =	swait.ge [sflag:s19], $0x2000  }
0x89: {  	[sflag:s19] =	ssyncset.done $0x0  }
0x8a: {  	[sflag:s19] =	ssyncadd.s32 $0xFFFFE000  }
0x8b: {  	[tilespmem:s18], [sflag:$0x3] =	stream.linear.gather [spmem:s6], $0x2000, $0x38;
	[tilespmem:$0x15000] =	vst v63  }
0x8c: {  	_ =	swait.ge [sflag:s19], $0x2000  }
0x8d: {  	[sflag:s19] =	ssyncset.done $0x0  }
0x8e: {  	[sflag:s19] =	ssyncadd.s32 $0xFFFFE000  }
0x8f: {  	[hbm4b:s13+s30] =	stream.strided.scatter [tilespmem:s18], [sflag:$0x3], $0x2000, s21, s30, $0x38;
	[tilespmem:$0x15000] =	vst v63  }
0x90: {  	_ =	swait.ge [sflag:s19], $0x2000  }
0x91: {  	[sflag:s19] =	ssyncset.done $0x0  }
0x92: {  	[sflag:s19] =	ssyncadd.s32 $0xFFFFE000  }
0x93: {  	[tilespmem:s18], [sflag:$0x3] =	stream.linear.gather [spmem:s7], $0x2000, $0x38;
	[tilespmem:$0x15000] =	vst v63  }
0x94: {  	_ =	swait.ge [sflag:s19], $0x2000  }
0x95: {  	[sflag:s19] =	ssyncset.done $0x0  }
0x96: {  	[sflag:s19] =	ssyncadd.s32 $0xFFFFE000  }
0x97: {  	[hbm4b:s14+s30] =	stream.strided.scatter [tilespmem:s18], [sflag:$0x3], $0x2000, s21, s30, $0x38;
	[tilespmem:$0x15000] =	vst v63  }
0x98: {  	_ =	swait.ge [sflag:s19], $0x2000  }
0x99: {  	[sflag:s19] =	ssyncset.done $0x0  }
0x9a: {  	[sflag:s19] =	ssyncadd.s32 $0xFFFFE000  }
0x9b: {  	[tilespmem:s18], [sflag:$0x3] =	stream.linear.gather [spmem:s8], $0x2000, $0x38;
	[tilespmem:$0x15000] =	vst v63  }
0x9c: {  	_ =	swait.ge [sflag:s19], $0x2000  }
0x9d: {  	[sflag:s19] =	ssyncset.done $0x0  }
0x9e: {  	[sflag:s19] =	ssyncadd.s32 $0xFFFFE000  }
0x9f: {  	[hbm4b:s15+s30] =	stream.strided.scatter [tilespmem:s18], [sflag:$0x3], $0x2000, s21, s30, $0x38;
	[tilespmem:$0x15000] =	vst v63  }
0xa0: {  	_ =	swait.ge [sflag:s19], $0x2000  }
0xa1: {  	[sflag:s19] =	ssyncset.done $0x0  }
0xa2: {  	[sflag:s19] =	ssyncadd.s32 $0xFFFFE000  }
0xa3: {  	[tilespmem:s18], [sflag:$0x3] =	stream.linear.gather [spmem:s9], $0x2000, $0x38;
	[tilespmem:$0x15000] =	vst v63  }
0xa4: {  	s4 =	sadd.s32 $0x1, s4;
	_ =	swait.ge [sflag:s19], $0x2000  }
0xa5: {  	p0 =	sne.s32 s4, s17;
	[sflag:s19] =	ssyncset.done $0x0  }
.Ltmp2:
0xa6: {  	[sflag:s19] =	ssyncadd.s32 $0xFFFFE000;
	(pc) =	sbr.rel @p0 .LBB2_1-.Ltmp2, $4  }
0xa7: {  	[hbm4b:s16+s30] =	stream.strided.scatter [tilespmem:s18], [sflag:$0x3], $0x2000, s21, s30, $0x38;
	[tilespmem:$0x15000] =	vst v63  }
0xa8: {  	_ =	swait.ge [sflag:s19], $0x2000  }
0xa9: {  	[sflag:s19] =	ssyncset.done $0x0  }
0xaa: {  	[sflag:s19] =	ssyncadd.s32 $0xFFFFE000  }
0xab: {  	_ =	sfence.sel $0x180000  }
0xac: {  	[bflag:$0x0] =	sbarrier.arrive $0xFFFF  }
0xad: {  	_ =	strace $0x90000047  }
0xae: {  	s0 =	stileid.u32;
	[bflag:$0x2] =	sbarrier.arrive $0xFFFF  }
0xaf: {  	p0 =	sne.s32 s0, $0x0;
	s0 =	rddreg [dreg:$0x3]  }
0xb0: {  	s0 =	sadd.s32 @!p0 $0x100000, s0  }
0xb1: {  	[sflag:s0] =	ssyncadd.tile.s32 @!p0 $0x1;
	_ =	shalt  }
.Lfunc_end2:
_tile_overlayer_lowered:
.L_overlay_start_2:
0xb2: {  	(tag) =	ssettag $0x2  }
0xb3: {  	s0 =	rddreg [dreg:$0x0];
	s2 =	stileid.u32  }
0xb4: {  	s1 =	rddreg [dreg:$0x1];
	p0 =	sne.s32 s2, $0x0  }
0xb5: {  	s3 =	rddreg [dreg:$0x2];
	[bflag:$0x3] =	sbarrier.arrive $0xFFFF;
	s2 =	simm.s32 @!p0 $0x1C03  }
0xb6: {  	[timem:s3], [sflag:s2] =	dma.local @!p0 [hbm:s0], s1  }
0xb7: {  	s0 =	simm.s32 @!p0 $0x3  }
0xb8: {  	_ =	swait.ge @!p0 [sflag:s0], s1  }
0xb9: {  	s1 =	ssub.s32 @!p0 $0x0, s1;
	[sflag:s0] =	ssyncset.done @!p0 $0x0  }
0xba: {  	[sflag:s0] =	ssyncadd.s32 @!p0 s1  }
0xbb: {  	[bflag:$0x3] =	sbarrier.arrive $0xFFFF  }
0xbc: {  	_ =	shalt  }

</sc_bundles>
